<compile_context>
chip_gen: v7x
topology: tpu7x:2x2x1
jax: 0.10.2.dev20260603
libtpu: 0.0.44.dev20260713+nightly
codegen_flags: <defaults>
</compile_context>

<pallas_src>
import jax
import jax.numpy as jnp
from jax import lax
from jax.experimental import pallas as pl
from jax.experimental.pallas import tpu as pltpu
from jax.experimental.pallas import tpu_sc as plsc

B, K, D = 18432, 8192, 64
BB = 512
KB = 4096
NB = B // BB
NK = K // KB
NG = KB // 128

_NC, _NS = 2, 16
_NW = _NC * _NS
_BPW = B // _NW


def _argmin_body(zq_ref, emb_ref, a2_ref, b2_ref, idx_ref,
                 accv_ref, acci_ref, best_ref, bestix_ref):
    k = pl.program_id(1)

    @pl.when((k == 0) | (k == NK // 2))
    def _init():
        accv_ref[...] = jnp.full((BB, 128), jnp.inf, jnp.float32)
        acci_ref[...] = jnp.zeros((BB, 128), jnp.int32)

    zb = zq_ref[...] * -2.0
    eb = emb_ref[...]
    ab2 = lax.dot_general(zb, eb, (((1,), (1,)), ((), ())),
                          preferred_element_type=jnp.float32)
    a2 = a2_ref[...]
    b2 = b2_ref[...]
    for g in range(NG):
        lo, hi = g * 128, (g + 1) * 128
        sq = (a2 + b2[:, lo:hi]) + ab2[:, lo:hi]
        accv = accv_ref[...]
        upd = sq < accv
        acci_ref[...] = jnp.where(upd, jnp.int32(k * NG + g), acci_ref[...])
        accv_ref[...] = jnp.where(upd, sq, accv)

    def _collapse():
        dist = jnp.sqrt(jnp.maximum(accv_ref[...], 0.0))
        acci = acci_ref[...]
        m = jnp.min(dist, axis=1, keepdims=True)
        lane = lax.broadcasted_iota(jnp.int32, (BB, 128), 1)
        gidx = acci * 128 + lane
        cand = jnp.where(dist == m, gidx, jnp.int32(2**30))
        gi = jnp.min(cand, axis=1, keepdims=True)
        return m, gi

    @pl.when(k == NK // 2 - 1)
    def _end_half0():
        m0, i0 = _collapse()
        best_ref[...] = m0.astype(jnp.bfloat16).astype(jnp.float32)
        bestix_ref[...] = i0

    @pl.when(k == NK - 1)
    def _end_half1():
        m1, i1 = _collapse()
        b = best_ref[...]
        i0 = bestix_ref[...]
        take = (m1 < b) | ((m1 == b) & (i1 < i0))
        idx_ref[...] = jnp.where(take, i1, i0)


_argmin_call = pl.pallas_call(
    _argmin_body,
    grid=(NB, NK),
    in_specs=[
        pl.BlockSpec((BB, D), lambda i, k: (i, 0)),
        pl.BlockSpec((KB, D), lambda i, k: (k, 0)),
        pl.BlockSpec((BB, 1), lambda i, k: (i, 0)),
        pl.BlockSpec((1, KB), lambda i, k: (0, k)),
    ],
    out_specs=pl.BlockSpec((BB, 1), lambda i, k: (i, 0)),
    out_shape=jax.ShapeDtypeStruct((B, 1), jnp.int32),
    scratch_shapes=[
        pltpu.VMEM((BB, 128), jnp.float32),
        pltpu.VMEM((BB, 128), jnp.int32),
        pltpu.VMEM((BB, 1), jnp.float32),
        pltpu.VMEM((BB, 1), jnp.int32),
    ],
    compiler_params=pltpu.CompilerParams(
        dimension_semantics=("parallel", "arbitrary")),
)


def _gather_body(emb_hbm, idx_hbm, out_hbm, idx_v, rows_v, sem):
    wid = lax.axis_index("s") * _NC + lax.axis_index("c")
    base = wid * _BPW
    pltpu.sync_copy(idx_hbm.at[pl.ds(base, _BPW)], idx_v)
    pltpu.async_copy(emb_hbm.at[idx_v], rows_v, sem).wait()
    pltpu.sync_copy(rows_v, out_hbm.at[pl.ds(base, _BPW)])


_gather_call = pl.kernel(
    _gather_body,
    out_type=jax.ShapeDtypeStruct((B, D), jnp.float32),
    mesh=plsc.VectorSubcoreMesh(core_axis_name="c", subcore_axis_name="s"),
    scratch_types=[
        pltpu.VMEM((_BPW,), jnp.int32),
        pltpu.VMEM((_BPW, D), jnp.float32),
        pltpu.SemaphoreType.DMA,
    ],
    compiler_params=pltpu.CompilerParams(use_tc_tiling_on_sc=False),
)


@jax.jit
def kernel(zq, embeddings):
    a2 = jnp.sum(zq * zq, axis=1, keepdims=True)
    b2 = jnp.sum(embeddings * embeddings, axis=1, keepdims=True).T
    idx = _argmin_call(zq, embeddings, a2, b2)
    return _gather_call(embeddings, idx.reshape(B))

# --- scband reference (transcript-rebuilt; emitter-appended) ---
"""Pipeline reference for scband-vector-quantize-sampler-57578331570533 (READ-ONLY COPY).

The authoritative reference and input builder live on the scoring server;
editing this copy changes nothing except your own understanding.
"""

import jax, jax.numpy as jnp
import numpy as np


def _cdist(a, b):
    # Euclidean pairwise distance matrix, matching torch.cdist(p=2)
    a2 = jnp.sum(a * a, axis=1, keepdims=True)          # [B, 1]
    b2 = jnp.sum(b * b, axis=1, keepdims=True).T        # [1, K]
    sq = a2 + b2 - 2.0 * (a @ b.T)
    sq = jnp.maximum(sq, 0.0)
    return jnp.sqrt(sq)


def setup_inputs(seed: int = 0) -> dict:
    key = jax.random.key(seed)
    k1, k2 = jax.random.split(key)
    zq = jax.random.normal(k1, (18432, 64), dtype=jnp.float32)
    embeddings = jax.random.normal(k2, (8192, 64), dtype=jnp.float32)
    return {"zq": zq, "embeddings": embeddings}


def reference(zq, embeddings):
    # VQFunction.forward: cdist -> argmin -> embedding lookup
    dist_mat = _cdist(zq, embeddings)          # [B, K]
    emb_ix = jnp.argmin(dist_mat, axis=1)      # [B]
    out = jnp.take(embeddings, emb_ix, axis=0) # [B, E] gather
    return out

if __name__ == "__main__":
    import jax
    _d = setup_inputs()
    print(jax.jit(kernel)(*tuple(_d.values())))

</pallas_src>

<mosaic_0001>
#map = affine_map<(d0, d1) -> (0, 0)>
#map1 = affine_map<(d0, d1) -> (0)>
module attributes {stable_mosaic.version = 14 : i64} {
  func.func @_gather_body(%arg0: i32, %arg1: i32, %arg2: memref<8192x64xf32, #tpu.memory_space<hbm>>, %arg3: memref<18432xi32, #tpu.memory_space<hbm>>, %arg4: memref<18432x64xf32, #tpu.memory_space<hbm>>, %arg5: memref<576xi32, #tpu.memory_space<vmem>>, %arg6: memref<576x64xf32, #tpu.memory_space<vmem>>, %arg7: memref<!tpu.dma_semaphore, #tpu.memory_space<semaphore_mem>>) attributes {dimension_semantics = [#tpu.dimension_semantics<core_parallel>, #tpu.dimension_semantics<subcore_parallel>], iteration_bounds = array<i64: 2, 16>, scalar_prefetch = 0 : i64, scratch_operands = 3 : i64, tpu.core_type = #tpu.core_type<sc_vector_subcore>, window_params = [{transform_indices = #map}, {transform_indices = #map1}, {transform_indices = #map}]} {
    %mul3A = arith.constant 2 : i32
    %mul3A_0 = arith.muli %arg1, %mul3A : i32
    %add3A = arith.addi %mul3A_0, %arg0 : i32
    %mul3A_1 = arith.constant 576 : i32
    %mul3A_2 = arith.muli %add3A, %mul3A_1 : i32
    "tpu.region"() ({
      %run_scoped3A = tpu.sem_alloc : memref<!tpu.dma_semaphore, #tpu.memory_space<semaphore_mem>>
      %dma_start3A_7 = tpu.memref_slice %arg3[%mul3A_2] : memref<18432xi32, #tpu.memory_space<hbm>> -> memref<576xi32, #tpu.memory_space<hbm>>
      %dma_start3A_8 = tpu.memref_slice %arg3[%mul3A_2] : memref<18432xi32, #tpu.memory_space<hbm>> -> memref<576xi32, #tpu.memory_space<hbm>>
      tpu.enqueue_dma source(%dma_start3A_8 : memref<576xi32, #tpu.memory_space<hbm>>) target(%arg5 : memref<576xi32, #tpu.memory_space<vmem>>) target_semaphore(%run_scoped3A : memref<!tpu.dma_semaphore, #tpu.memory_space<semaphore_mem>>)
      %dma_wait3A_9 = tpu.memref_slice %arg3[%mul3A_2] : memref<18432xi32, #tpu.memory_space<hbm>> -> memref<576xi32, #tpu.memory_space<hbm>>
      %dma_wait3A_10 = tpu.memref_slice %arg3[%mul3A_2] : memref<18432xi32, #tpu.memory_space<hbm>> -> memref<576xi32, #tpu.memory_space<hbm>>
      tpu.wait_dma2 semaphore(%run_scoped3A : memref<!tpu.dma_semaphore, #tpu.memory_space<semaphore_mem>>) src(%dma_wait3A_10 : memref<576xi32, #tpu.memory_space<hbm>>) dst(%arg5 : memref<576xi32, #tpu.memory_space<vmem>>)
      tpu.yield
    }) : () -> ()
    %dma_start3A = arith.constant 0 : i32
    %dma_start3A_3 = arith.constant 0 : i32
    %dma_start3A_4 = tpu.memref_slice %arg2[%dma_start3A, %dma_start3A_3] : memref<8192x64xf32, #tpu.memory_space<hbm>> -> memref<8192x64xf32, #tpu.memory_space<hbm>>
    tpu.enqueue_indirect_dma source(%dma_start3A_4 : memref<8192x64xf32, #tpu.memory_space<hbm>>) target(%arg6 : memref<576x64xf32, #tpu.memory_space<vmem>>) offsets(%arg5 : memref<576xi32, #tpu.memory_space<vmem>>) semaphore(%arg7 : memref<!tpu.dma_semaphore, #tpu.memory_space<semaphore_mem>>)
    %dma_wait3A = arith.constant 0 : i32
    %dma_wait3A_5 = arith.constant 0 : i32
    %dma_wait3A_6 = tpu.memref_slice %arg2[%dma_wait3A, %dma_wait3A_5] : memref<8192x64xf32, #tpu.memory_space<hbm>> -> memref<8192x64xf32, #tpu.memory_space<hbm>>
    tpu.wait_indirect_dma semaphore(%arg7 : memref<!tpu.dma_semaphore, #tpu.memory_space<semaphore_mem>>) src(%dma_wait3A_6 : memref<8192x64xf32, #tpu.memory_space<hbm>>) dst(%arg6 : memref<576x64xf32, #tpu.memory_space<vmem>>)
    "tpu.region"() ({
      %run_scoped3A = tpu.sem_alloc : memref<!tpu.dma_semaphore, #tpu.memory_space<semaphore_mem>>
      %dma_start3A_7 = arith.constant 0 : i32
      %dma_start3A_8 = tpu.memref_slice %arg4[%mul3A_2, %dma_start3A_7] : memref<18432x64xf32, #tpu.memory_space<hbm>> -> memref<576x64xf32, #tpu.memory_space<hbm>>
      %dma_start3A_9 = arith.constant 0 : i32
      %dma_start3A_10 = tpu.memref_slice %arg4[%mul3A_2, %dma_start3A_9] : memref<18432x64xf32, #tpu.memory_space<hbm>> -> memref<576x64xf32, #tpu.memory_space<hbm>>
      tpu.enqueue_dma source(%arg6 : memref<576x64xf32, #tpu.memory_space<vmem>>) target(%dma_start3A_10 : memref<576x64xf32, #tpu.memory_space<hbm>>) target_semaphore(%run_scoped3A : memref<!tpu.dma_semaphore, #tpu.memory_space<semaphore_mem>>)
      %dma_wait3A_11 = arith.constant 0 : i32
      %dma_wait3A_12 = tpu.memref_slice %arg4[%mul3A_2, %dma_wait3A_11] : memref<18432x64xf32, #tpu.memory_space<hbm>> -> memref<576x64xf32, #tpu.memory_space<hbm>>
      %dma_wait3A_13 = arith.constant 0 : i32
      %dma_wait3A_14 = tpu.memref_slice %arg4[%mul3A_2, %dma_wait3A_13] : memref<18432x64xf32, #tpu.memory_space<hbm>> -> memref<576x64xf32, #tpu.memory_space<hbm>>
      tpu.wait_dma2 semaphore(%run_scoped3A : memref<!tpu.dma_semaphore, #tpu.memory_space<semaphore_mem>>) src(%arg6 : memref<576x64xf32, #tpu.memory_space<vmem>>) dst(%dma_wait3A_14 : memref<576x64xf32, #tpu.memory_space<hbm>>)
      tpu.yield
    }) : () -> ()
    return
  }
}

module attributes {stable_mosaic.version = 14 : i64} {
  func.func @_argmin_body(%arg0: i32, %arg1: i32, %arg2: memref<512x64xf32, #tpu.memory_space<vmem>>, %arg3: memref<4096x64xf32, #tpu.memory_space<vmem>>, %arg4: memref<512x1xf32, #tpu.memory_space<vmem>>, %arg5: memref<1x4096xf32, #tpu.memory_space<vmem>>, %arg6: memref<512x1xi32, #tpu.memory_space<vmem>>, %arg7: memref<512x128xf32, #tpu.memory_space<vmem>>, %arg8: memref<512x128xi32, #tpu.memory_space<vmem>>, %arg9: memref<512x1xf32, #tpu.memory_space<vmem>>, %arg10: memref<512x1xi32, #tpu.memory_space<vmem>>) attributes {dimension_semantics = [#tpu.dimension_semantics<parallel>, #tpu.dimension_semantics<arbitrary>], iteration_bounds = array<i64: 36, 2>, scalar_prefetch = 0 : i64, scratch_operands = 4 : i64, tpu.core_type = #tpu.core_type<tc>, window_params = [{transform_indices = @transform_0, window_bounds = array<i64: 512, 64>}, {transform_indices = @transform_1, window_bounds = array<i64: 4096, 64>}, {transform_indices = @transform_2, window_bounds = array<i64: 512, 1>}, {transform_indices = @transform_3, window_bounds = array<i64: 1, 4096>}, {transform_indices = @transform_4, window_bounds = array<i64: 512, 1>}]} {
    %eq3A = arith.constant 0 : i32
    %eq3A_0 = arith.cmpi eq, %arg1, %eq3A : i32
    %eq3A_1 = arith.constant 1 : i32
    %eq3A_2 = arith.cmpi eq, %arg1, %eq3A_1 : i32
    %or3A = arith.ori %eq3A_0, %eq3A_2 : i1
    %convert_element_type3A = arith.extui %or3A : i1 to i32
    %cond3A = arith.constant 0 : i32
    %cond3A_3 = arith.cmpi ne, %convert_element_type3A, %cond3A : i32
    scf.if %cond3A_3 {
      %broadcast_in_dim3A_854 = arith.constant 0x7F800000 : f32
      %broadcast_in_dim3A_855 = vector.broadcast %broadcast_in_dim3A_854 : f32 to vector<512x128xf32>
      %swap3A_856 = arith.constant 0 : index
      %swap3A_857 = arith.constant 0 : index
      %swap3A_858 = vector.load %arg7[%swap3A_856, %swap3A_857] : memref<512x128xf32, #tpu.memory_space<vmem>>, vector<512x128xf32>
      tpu.vector_store %arg7[%swap3A_856, %swap3A_857], %broadcast_in_dim3A_855 {strides = array<i32>} : memref<512x128xf32, #tpu.memory_space<vmem>>, vector<512x128xf32>,
      %broadcast_in_dim3A_859 = arith.constant 0 : i32
      %broadcast_in_dim3A_860 = vector.broadcast %broadcast_in_dim3A_859 : i32 to vector<512x128xi32>
      %swap3A_861 = arith.constant 0 : index
      %swap3A_862 = arith.constant 0 : index
      %swap3A_863 = vector.load %arg8[%swap3A_861, %swap3A_862] : memref<512x128xi32, #tpu.memory_space<vmem>>, vector<512x128xi32>
      tpu.vector_store %arg8[%swap3A_861, %swap3A_862], %broadcast_in_dim3A_860 {strides = array<i32>} : memref<512x128xi32, #tpu.memory_space<vmem>>, vector<512x128xi32>,
    } else {
    }
    %get3A = arith.constant 0 : index
    %get3A_4 = arith.constant 0 : index
    %get3A_5 = vector.load %arg2[%get3A, %get3A_4] : memref<512x64xf32, #tpu.memory_space<vmem>>, vector<512x64xf32>
    %mul3A = arith.constant -2.000000e+00 : f32
    %mul3A_6 = vector.broadcast %mul3A : f32 to vector<512x64xf32>
    %mul3A_7 = arith.mulf %get3A_5, %mul3A_6 : vector<512x64xf32>
    %get3A_8 = arith.constant 0 : index
    %get3A_9 = arith.constant 0 : index
    %get3A_10 = vector.load %arg3[%get3A_8, %get3A_9] : memref<4096x64xf32, #tpu.memory_space<vmem>>, vector<4096x64xf32>
    %dot_general3A = arith.constant dense<0.000000e+00> : vector<512x4096xf32>
    %dot_general3A_11 = tpu.matmul %mul3A_7, %get3A_10, %dot_general3A {dimension_numbers = #tpu.dot_dimension_numbers<[1], [1], [0], [0], [0, 0, 1, 0], [], []>, transpose_lhs_hint = false} : vector<512x64xf32>, vector<4096x64xf32>, vector<512x4096xf32> -> vector<512x4096xf32>
    %get3A_12 = arith.constant 0 : index
    %get3A_13 = arith.constant 0 : index
    %get3A_14 = vector.load %arg4[%get3A_12, %get3A_13] : memref<512x1xf32, #tpu.memory_space<vmem>>, vector<512x1xf32>
    %get3A_15 = arith.constant 0 : index
    %get3A_16 = arith.constant 0 : index
    %get3A_17 = vector.load %arg5[%get3A_15, %get3A_16] : memref<1x4096xf32, #tpu.memory_space<vmem>>, vector<1x4096xf32>
    %slice3A = vector.extract_strided_slice %get3A_17 {offsets = [0, 0], sizes = [1, 128], strides = [1, 1]} : vector<1x4096xf32> to vector<1x128xf32>
    %add3A = vector.broadcast %get3A_14 : vector<512x1xf32> to vector<512x128xf32>
    %add3A_18 = vector.broadcast %slice3A : vector<1x128xf32> to vector<512x128xf32>
    %add3A_19 = arith.addf %add3A, %add3A_18 : vector<512x128xf32>
    %slice3A_20 = vector.extract_strided_slice %dot_general3A_11 {offsets = [0, 0], sizes = [512, 128], strides = [1, 1]} : vector<512x4096xf32> to vector<512x128xf32>
    %add3A_21 = arith.addf %add3A_19, %slice3A_20 : vector<512x128xf32>
    %get3A_22 = arith.constant 0 : index
    %get3A_23 = arith.constant 0 : index
    %get3A_24 = vector.load %arg7[%get3A_22, %get3A_23] : memref<512x128xf32, #tpu.memory_space<vmem>>, vector<512x128xf32>
    %lt3A = arith.cmpf olt, %add3A_21, %get3A_24 : vector<512x128xf32>
    %mul3A_25 = arith.constant 32 : i32
    %mul3A_26 = arith.muli %arg1, %mul3A_25 : i32
    %add3A_27 = arith.constant 0 : i32
    %add3A_28 = arith.addi %mul3A_26, %add3A_27 : i32
    %get3A_29 = arith.constant 0 : index
    %get3A_30 = arith.constant 0 : index
    %get3A_31 = vector.load %arg8[%get3A_29, %get3A_30] : memref<512x128xi32, #tpu.memory_space<vmem>>, vector<512x128xi32>
    %broadcast_in_dim3A = vector.broadcast %add3A_28 : i32 to vector<512x128xi32>
    %select_n3A = arith.select %lt3A, %broadcast_in_dim3A, %get3A_31 : vector<512x128xi1>, vector<512x128xi32>
    %swap3A = arith.constant 0 : index
    %swap3A_32 = arith.constant 0 : index
    %swap3A_33 = vector.load %arg8[%swap3A, %swap3A_32] : memref<512x128xi32, #tpu.memory_space<vmem>>, vector<512x128xi32>
    tpu.vector_store %arg8[%swap3A, %swap3A_32], %select_n3A {strides = array<i32>} : memref<512x128xi32, #tpu.memory_space<vmem>>, vector<512x128xi32>,
    %select_n3A_34 = arith.select %lt3A, %add3A_21, %get3A_24 : vector<512x128xi1>, vector<512x128xf32>
    %swap3A_35 = arith.constant 0 : index
    %swap3A_36 = arith.constant 0 : index
    %swap3A_37 = vector.load %arg7[%swap3A_35, %swap3A_36] : memref<512x128xf32, #tpu.memory_space<vmem>>, vector<512x128xf32>
    tpu.vector_store %arg7[%swap3A_35, %swap3A_36], %select_n3A_34 {strides = array<i32>} : memref<512x128xf32, #tpu.memory_space<vmem>>, vector<512x128xf32>,
    %slice3A_38 = vector.extract_strided_slice %get3A_17 {offsets = [0, 128], sizes = [1, 128], strides = [1, 1]} : vector<1x4096xf32> to vector<1x128xf32>
    %add3A_39 = vector.broadcast %get3A_14 : vector<512x1xf32> to vector<512x128xf32>
    %add3A_40 = vector.broadcast %slice3A_38 : vector<1x128xf32> to vector<512x128xf32>
    %add3A_41 = arith.addf %add3A_39, %add3A_40 : vector<512x128xf32>
    %slice3A_42 = vector.extract_strided_slice %dot_general3A_11 {offsets = [0, 128], sizes = [512, 128], strides = [1, 1]} : vector<512x4096xf32> to vector<512x128xf32>
    %add3A_43 = arith.addf %add3A_41, %slice3A_42 : vector<512x128xf32>
    %get3A_44 = arith.constant 0 : index
    %get3A_45 = arith.constant 0 : index
    %get3A_46 = vector.load %arg7[%get3A_44, %get3A_45] : memref<512x128xf32, #tpu.memory_space<vmem>>, vector<512x128xf32>
    %lt3A_47 = arith.cmpf olt, %add3A_43, %get3A_46 : vector<512x128xf32>
    %mul3A_48 = arith.constant 32 : i32
    %mul3A_49 = arith.muli %arg1, %mul3A_48 : i32
    %add3A_50 = arith.constant 1 : i32
    %add3A_51 = arith.addi %mul3A_49, %add3A_50 : i32
    %get3A_52 = arith.constant 0 : index
    %get3A_53 = arith.constant 0 : index
    %get3A_54 = vector.load %arg8[%get3A_52, %get3A_53] : memref<512x128xi32, #tpu.memory_space<vmem>>, vector<512x128xi32>
    %broadcast_in_dim3A_55 = vector.broadcast %add3A_51 : i32 to vector<512x128xi32>
    %select_n3A_56 = arith.select %lt3A_47, %broadcast_in_dim3A_55, %get3A_54 : vector<512x128xi1>, vector<512x128xi32>
    %swap3A_57 = arith.constant 0 : index
    %swap3A_58 = arith.constant 0 : index
    %swap3A_59 = vector.load %arg8[%swap3A_57, %swap3A_58] : memref<512x128xi32, #tpu.memory_space<vmem>>, vector<512x128xi32>
    tpu.vector_store %arg8[%swap3A_57, %swap3A_58], %select_n3A_56 {strides = array<i32>} : memref<512x128xi32, #tpu.memory_space<vmem>>, vector<512x128xi32>,
    %select_n3A_60 = arith.select %lt3A_47, %add3A_43, %get3A_46 : vector<512x128xi1>, vector<512x128xf32>
    %swap3A_61 = arith.constant 0 : index
    %swap3A_62 = arith.constant 0 : index
    %swap3A_63 = vector.load %arg7[%swap3A_61, %swap3A_62] : memref<512x128xf32, #tpu.memory_space<vmem>>, vector<512x128xf32>
    tpu.vector_store %arg7[%swap3A_61, %swap3A_62], %select_n3A_60 {strides = array<i32>} : memref<512x128xf32, #tpu.memory_space<vmem>>, vector<512x128xf32>,
    %slice3A_64 = vector.extract_strided_slice %get3A_17 {offsets = [0, 256], sizes = [1, 128], strides = [1, 1]} : vector<1x4096xf32> to vector<1x128xf32>
    %add3A_65 = vector.broadcast %get3A_14 : vector<512x1xf32> to vector<512x128xf32>
    %add3A_66 = vector.broadcast %slice3A_64 : vector<1x128xf32> to vector<512x128xf32>
    %add3A_67 = arith.addf %add3A_65, %add3A_66 : vector<512x128xf32>
    %slice3A_68 = vector.extract_strided_slice %dot_general3A_11 {offsets = [0, 256], sizes = [512, 128], strides = [1, 1]} : vector<512x4096xf32> to vector<512x128xf32>
    %add3A_69 = arith.addf %add3A_67, %slice3A_68 : vector<512x128xf32>
    %get3A_70 = arith.constant 0 : index
    %get3A_71 = arith.constant 0 : index
    %get3A_72 = vector.load %arg7[%get3A_70, %get3A_71] : memref<512x128xf32, #tpu.memory_space<vmem>>, vector<512x128xf32>
    %lt3A_73 = arith.cmpf olt, %add3A_69, %get3A_72 : vector<512x128xf32>
    %mul3A_74 = arith.constant 32 : i32
    %mul3A_75 = arith.muli %arg1, %mul3A_74 : i32
    %add3A_76 = arith.constant 2 : i32
    %add3A_77 = arith.addi %mul3A_75, %add3A_76 : i32
    %get3A_78 = arith.constant 0 : index
    %get3A_79 = arith.constant 0 : index
    %get3A_80 = vector.load %arg8[%get3A_78, %get3A_79] : memref<512x128xi32, #tpu.memory_space<vmem>>, vector<512x128xi32>
    %broadcast_in_dim3A_81 = vector.broadcast %add3A_77 : i32 to vector<512x128xi32>
    %select_n3A_82 = arith.select %lt3A_73, %broadcast_in_dim3A_81, %get3A_80 : vector<512x128xi1>, vector<512x128xi32>
    %swap3A_83 = arith.constant 0 : index
    %swap3A_84 = arith.constant 0 : index
    %swap3A_85 = vector.load %arg8[%swap3A_83, %swap3A_84] : memref<512x128xi32, #tpu.memory_space<vmem>>, vector<512x128xi32>
    tpu.vector_store %arg8[%swap3A_83, %swap3A_84], %select_n3A_82 {strides = array<i32>} : memref<512x128xi32, #tpu.memory_space<vmem>>, vector<512x128xi32>,
    %select_n3A_86 = arith.select %lt3A_73, %add3A_69, %get3A_72 : vector<512x128xi1>, vector<512x128xf32>
    %swap3A_87 = arith.constant 0 : index
    %swap3A_88 = arith.constant 0 : index
    %swap3A_89 = vector.load %arg7[%swap3A_87, %swap3A_88] : memref<512x128xf32, #tpu.memory_space<vmem>>, vector<512x128xf32>
    tpu.vector_store %arg7[%swap3A_87, %swap3A_88], %select_n3A_86 {strides = array<i32>} : memref<512x128xf32, #tpu.memory_space<vmem>>, vector<512x128xf32>,
    %slice3A_90 = vector.extract_strided_slice %get3A_17 {offsets = [0, 384], sizes = [1, 128], strides = [1, 1]} : vector<1x4096xf32> to vector<1x128xf32>
    %add3A_91 = vector.broadcast %get3A_14 : vector<512x1xf32> to vector<512x128xf32>
    %add3A_92 = vector.broadcast %slice3A_90 : vector<1x128xf32> to vector<512x128xf32>
    %add3A_93 = arith.addf %add3A_91, %add3A_92 : vector<512x128xf32>
    %slice3A_94 = vector.extract_strided_slice %dot_general3A_11 {offsets = [0, 384], sizes = [512, 128], strides = [1, 1]} : vector<512x4096xf32> to vector<512x128xf32>
    %add3A_95 = arith.addf %add3A_93, %slice3A_94 : vector<512x128xf32>
    %get3A_96 = arith.constant 0 : index
    %get3A_97 = arith.constant 0 : index
    %get3A_98 = vector.load %arg7[%get3A_96, %get3A_97] : memref<512x128xf32, #tpu.memory_space<vmem>>, vector<512x128xf32>
    %lt3A_99 = arith.cmpf olt, %add3A_95, %get3A_98 : vector<512x128xf32>
    %mul3A_100 = arith.constant 32 : i32
    %mul3A_101 = arith.muli %arg1, %mul3A_100 : i32
    %add3A_102 = arith.constant 3 : i32
    %add3A_103 = arith.addi %mul3A_101, %add3A_102 : i32
    %get3A_104 = arith.constant 0 : index
    %get3A_105 = arith.constant 0 : index
    %get3A_106 = vector.load %arg8[%get3A_104, %get3A_105] : memref<512x128xi32, #tpu.memory_space<vmem>>, vector<512x128xi32>
    %broadcast_in_dim3A_107 = vector.broadcast %add3A_103 : i32 to vector<512x128xi32>
    %select_n3A_108 = arith.select %lt3A_99, %broadcast_in_dim3A_107, %get3A_106 : vector<512x128xi1>, vector<512x128xi32>
    %swap3A_109 = arith.constant 0 : index
    %swap3A_110 = arith.constant 0 : index
    %swap3A_111 = vector.load %arg8[%swap3A_109, %swap3A_110] : memref<512x128xi32, #tpu.memory_space<vmem>>, vector<512x128xi32>
    tpu.vector_store %arg8[%swap3A_109, %swap3A_110], %select_n3A_108 {strides = array<i32>} : memref<512x128xi32, #tpu.memory_space<vmem>>, vector<512x128xi32>,
    %select_n3A_112 = arith.select %lt3A_99, %add3A_95, %get3A_98 : vector<512x128xi1>, vector<512x128xf32>
    %swap3A_113 = arith.constant 0 : index
    %swap3A_114 = arith.constant 0 : index
    %swap3A_115 = vector.load %arg7[%swap3A_113, %swap3A_114] : memref<512x128xf32, #tpu.memory_space<vmem>>, vector<512x128xf32>
    tpu.vector_store %arg7[%swap3A_113, %swap3A_114], %select_n3A_112 {strides = array<i32>} : memref<512x128xf32, #tpu.memory_space<vmem>>, vector<512x128xf32>,
    %slice3A_116 = vector.extract_strided_slice %get3A_17 {offsets = [0, 512], sizes = [1, 128], strides = [1, 1]} : vector<1x4096xf32> to vector<1x128xf32>
    %add3A_117 = vector.broadcast %get3A_14 : vector<512x1xf32> to vector<512x128xf32>
    %add3A_118 = vector.broadcast %slice3A_116 : vector<1x128xf32> to vector<512x128xf32>
    %add3A_119 = arith.addf %add3A_117, %add3A_118 : vector<512x128xf32>
    %slice3A_120 = vector.extract_strided_slice %dot_general3A_11 {offsets = [0, 512], sizes = [512, 128], strides = [1, 1]} : vector<512x4096xf32> to vector<512x128xf32>
    %add3A_121 = arith.addf %add3A_119, %slice3A_120 : vector<512x128xf32>
    %get3A_122 = arith.constant 0 : index
    %get3A_123 = arith.constant 0 : index
    %get3A_124 = vector.load %arg7[%get3A_122, %get3A_123] : memref<512x128xf32, #tpu.memory_space<vmem>>, vector<512x128xf32>
    %lt3A_125 = arith.cmpf olt, %add3A_121, %get3A_124 : vector<512x128xf32>
    %mul3A_126 = arith.constant 32 : i32
    %mul3A_127 = arith.muli %arg1, %mul3A_126 : i32
    %add3A_128 = arith.constant 4 : i32
    %add3A_129 = arith.addi %mul3A_127, %add3A_128 : i32
    %get3A_130 = arith.constant 0 : index
    %get3A_131 = arith.constant 0 : index
    %get3A_132 = vector.load %arg8[%get3A_130, %get3A_131] : memref<512x128xi32, #tpu.memory_space<vmem>>, vector<512x128xi32>
    %broadcast_in_dim3A_133 = vector.broadcast %add3A_129 : i32 to vector<512x128xi32>
    %select_n3A_134 = arith.select %lt3A_125, %broadcast_in_dim3A_133, %get3A_132 : vector<512x128xi1>, vector<512x128xi32>
    %swap3A_135 = arith.constant 0 : index
    %swap3A_136 = arith.constant 0 : index
    %swap3A_137 = vector.load %arg8[%swap3A_135, %swap3A_136] : memref<512x128xi32, #tpu.memory_space<vmem>>, vector<512x128xi32>
    tpu.vector_store %arg8[%swap3A_135, %swap3A_136], %select_n3A_134 {strides = array<i32>} : memref<512x128xi32, #tpu.memory_space<vmem>>, vector<512x128xi32>,
    %select_n3A_138 = arith.select %lt3A_125, %add3A_121, %get3A_124 : vector<512x128xi1>, vector<512x128xf32>
    %swap3A_139 = arith.constant 0 : index
    %swap3A_140 = arith.constant 0 : index
    %swap3A_141 = vector.load %arg7[%swap3A_139, %swap3A_140] : memref<512x128xf32, #tpu.memory_space<vmem>>, vector<512x128xf32>
    tpu.vector_store %arg7[%swap3A_139, %swap3A_140], %select_n3A_138 {strides = array<i32>} : memref<512x128xf32, #tpu.memory_space<vmem>>, vector<512x128xf32>,
    %slice3A_142 = vector.extract_strided_slice %get3A_17 {offsets = [0, 640], sizes = [1, 128], strides = [1, 1]} : vector<1x4096xf32> to vector<1x128xf32>
    %add3A_143 = vector.broadcast %get3A_14 : vector<512x1xf32> to vector<512x128xf32>
    %add3A_144 = vector.broadcast %slice3A_142 : vector<1x128xf32> to vector<512x128xf32>
    %add3A_145 = arith.addf %add3A_143, %add3A_144 : vector<512x128xf32>
    %slice3A_146 = vector.extract_strided_slice %dot_general3A_11 {offsets = [0, 640], sizes = [512, 128], strides = [1, 1]} : vector<512x4096xf32> to vector<512x128xf32>
    %add3A_147 = arith.addf %add3A_145, %slice3A_146 : vector<512x128xf32>
    %get3A_148 = arith.constant 0 : index
    %get3A_149 = arith.constant 0 : index
    %get3A_150 = vector.load %arg7[%get3A_148, %get3A_149] : memref<512x128xf32, #tpu.memory_space<vmem>>, vector<512x128xf32>
    %lt3A_151 = arith.cmpf olt, %add3A_147, %get3A_150 : vector<512x128xf32>
    %mul3A_152 = arith.constant 32 : i32
    %mul3A_153 = arith.muli %arg1, %mul3A_152 : i32
    %add3A_154 = arith.constant 5 : i32
    %add3A_155 = arith.addi %mul3A_153, %add3A_154 : i32
    %get3A_156 = arith.constant 0 : index
    %get3A_157 = arith.constant 0 : index
    %get3A_158 = vector.load %arg8[%get3A_156, %get3A_157] : memref<512x128xi32, #tpu.memory_space<vmem>>, vector<512x128xi32>
    %broadcast_in_dim3A_159 = vector.broadcast %add3A_155 : i32 to vector<512x128xi32>
    %select_n3A_160 = arith.select %lt3A_151, %broadcast_in_dim3A_159, %get3A_158 : vector<512x128xi1>, vector<512x128xi32>
    %swap3A_161 = arith.constant 0 : index
    %swap3A_162 = arith.constant 0 : index
    %swap3A_163 = vector.load %arg8[%swap3A_161, %swap3A_162] : memref<512x128xi32, #tpu.memory_space<vmem>>, vector<512x128xi32>
    tpu.vector_store %arg8[%swap3A_161, %swap3A_162], %select_n3A_160 {strides = array<i32>} : memref<512x128xi32, #tpu.memory_space<vmem>>, vector<512x128xi32>,
    %select_n3A_164 = arith.select %lt3A_151, %add3A_147, %get3A_150 : vector<512x128xi1>, vector<512x128xf32>
    %swap3A_165 = arith.constant 0 : index
    %swap3A_166 = arith.constant 0 : index
    %swap3A_167 = vector.load %arg7[%swap3A_165, %swap3A_166] : memref<512x128xf32, #tpu.memory_space<vmem>>, vector<512x128xf32>
    tpu.vector_store %arg7[%swap3A_165, %swap3A_166], %select_n3A_164 {strides = array<i32>} : memref<512x128xf32, #tpu.memory_space<vmem>>, vector<512x128xf32>,
    %slice3A_168 = vector.extract_strided_slice %get3A_17 {offsets = [0, 768], sizes = [1, 128], strides = [1, 1]} : vector<1x4096xf32> to vector<1x128xf32>
    %add3A_169 = vector.broadcast %get3A_14 : vector<512x1xf32> to vector<512x128xf32>
    %add3A_170 = vector.broadcast %slice3A_168 : vector<1x128xf32> to vector<512x128xf32>
    %add3A_171 = arith.addf %add3A_169, %add3A_170 : vector<512x128xf32>
    %slice3A_172 = vector.extract_strided_slice %dot_general3A_11 {offsets = [0, 768], sizes = [512, 128], strides = [1, 1]} : vector<512x4096xf32> to vector<512x128xf32>
    %add3A_173 = arith.addf %add3A_171, %slice3A_172 : vector<512x128xf32>
    %get3A_174 = arith.constant 0 : index
    %get3A_175 = arith.constant 0 : index
    %get3A_176 = vector.load %arg7[%get3A_174, %get3A_175] : memref<512x128xf32, #tpu.memory_space<vmem>>, vector<512x128xf32>
    %lt3A_177 = arith.cmpf olt, %add3A_173, %get3A_176 : vector<512x128xf32>
    %mul3A_178 = arith.constant 32 : i32
    %mul3A_179 = arith.muli %arg1, %mul3A_178 : i32
    %add3A_180 = arith.constant 6 : i32
    %add3A_181 = arith.addi %mul3A_179, %add3A_180 : i32
    %get3A_182 = arith.constant 0 : index
    %get3A_183 = arith.constant 0 : index
    %get3A_184 = vector.load %arg8[%get3A_182, %get3A_183] : memref<512x128xi32, #tpu.memory_space<vmem>>, vector<512x128xi32>
    %broadcast_in_dim3A_185 = vector.broadcast %add3A_181 : i32 to vector<512x128xi32>
    %select_n3A_186 = arith.select %lt3A_177, %broadcast_in_dim3A_185, %get3A_184 : vector<512x128xi1>, vector<512x128xi32>
    %swap3A_187 = arith.constant 0 : index
    %swap3A_188 = arith.constant 0 : index
    %swap3A_189 = vector.load %arg8[%swap3A_187, %swap3A_188] : memref<512x128xi32, #tpu.memory_space<vmem>>, vector<512x128xi32>
    tpu.vector_store %arg8[%swap3A_187, %swap3A_188], %select_n3A_186 {strides = array<i32>} : memref<512x128xi32, #tpu.memory_space<vmem>>, vector<512x128xi32>,
    %select_n3A_190 = arith.select %lt3A_177, %add3A_173, %get3A_176 : vector<512x128xi1>, vector<512x128xf32>
    %swap3A_191 = arith.constant 0 : index
    %swap3A_192 = arith.constant 0 : index
    %swap3A_193 = vector.load %arg7[%swap3A_191, %swap3A_192] : memref<512x128xf32, #tpu.memory_space<vmem>>, vector<512x128xf32>
    tpu.vector_store %arg7[%swap3A_191, %swap3A_192], %select_n3A_190 {strides = array<i32>} : memref<512x128xf32, #tpu.memory_space<vmem>>, vector<512x128xf32>,
    %slice3A_194 = vector.extract_strided_slice %get3A_17 {offsets = [0, 896], sizes = [1, 128], strides = [1, 1]} : vector<1x4096xf32> to vector<1x128xf32>
    %add3A_195 = vector.broadcast %get3A_14 : vector<512x1xf32> to vector<512x128xf32>
    %add3A_196 = vector.broadcast %slice3A_194 : vector<1x128xf32> to vector<512x128xf32>
    %add3A_197 = arith.addf %add3A_195, %add3A_196 : vector<512x128xf32>
    %slice3A_198 = vector.extract_strided_slice %dot_general3A_11 {offsets = [0, 896], sizes = [512, 128], strides = [1, 1]} : vector<512x4096xf32> to vector<512x128xf32>
    %add3A_199 = arith.addf %add3A_197, %slice3A_198 : vector<512x128xf32>
    %get3A_200 = arith.constant 0 : index
    %get3A_201 = arith.constant 0 : index
    %get3A_202 = vector.load %arg7[%get3A_200, %get3A_201] : memref<512x128xf32, #tpu.memory_space<vmem>>, vector<512x128xf32>
    %lt3A_203 = arith.cmpf olt, %add3A_199, %get3A_202 : vector<512x128xf32>
    %mul3A_204 = arith.constant 32 : i32
    %mul3A_205 = arith.muli %arg1, %mul3A_204 : i32
    %add3A_206 = arith.constant 7 : i32
    %add3A_207 = arith.addi %mul3A_205, %add3A_206 : i32
    %get3A_208 = arith.constant 0 : index
    %get3A_209 = arith.constant 0 : index
    %get3A_210 = vector.load %arg8[%get3A_208, %get3A_209] : memref<512x128xi32, #tpu.memory_space<vmem>>, vector<512x128xi32>
    %broadcast_in_dim3A_211 = vector.broadcast %add3A_207 : i32 to vector<512x128xi32>
    %select_n3A_212 = arith.select %lt3A_203, %broadcast_in_dim3A_211, %get3A_210 : vector<512x128xi1>, vector<512x128xi32>
    %swap3A_213 = arith.constant 0 : index
    %swap3A_214 = arith.constant 0 : index
    %swap3A_215 = vector.load %arg8[%swap3A_213, %swap3A_214] : memref<512x128xi32, #tpu.memory_space<vmem>>, vector<512x128xi32>
    tpu.vector_store %arg8[%swap3A_213, %swap3A_214], %select_n3A_212 {strides = array<i32>} : memref<512x128xi32, #tpu.memory_space<vmem>>, vector<512x128xi32>,
    %select_n3A_216 = arith.select %lt3A_203, %add3A_199, %get3A_202 : vector<512x128xi1>, vector<512x128xf32>
    %swap3A_217 = arith.constant 0 : index
    %swap3A_218 = arith.constant 0 : index
    %swap3A_219 = vector.load %arg7[%swap3A_217, %swap3A_218] : memref<512x128xf32, #tpu.memory_space<vmem>>, vector<512x128xf32>
    tpu.vector_store %arg7[%swap3A_217, %swap3A_218], %select_n3A_216 {strides = array<i32>} : memref<512x128xf32, #tpu.memory_space<vmem>>, vector<512x128xf32>,
    %slice3A_220 = vector.extract_strided_slice %get3A_17 {offsets = [0, 1024], sizes = [1, 128], strides = [1, 1]} : vector<1x4096xf32> to vector<1x128xf32>
    %add3A_221 = vector.broadcast %get3A_14 : vector<512x1xf32> to vector<512x128xf32>
    %add3A_222 = vector.broadcast %slice3A_220 : vector<1x128xf32> to vector<512x128xf32>
    %add3A_223 = arith.addf %add3A_221, %add3A_222 : vector<512x128xf32>
    %slice3A_224 = vector.extract_strided_slice %dot_general3A_11 {offsets = [0, 1024], sizes = [512, 128], strides = [1, 1]} : vector<512x4096xf32> to vector<512x128xf32>
    %add3A_225 = arith.addf %add3A_223, %slice3A_224 : vector<512x128xf32>
    %get3A_226 = arith.constant 0 : index
    %get3A_227 = arith.constant 0 : index
    %get3A_228 = vector.load %arg7[%get3A_226, %get3A_227] : memref<512x128xf32, #tpu.memory_space<vmem>>, vector<512x128xf32>
    %lt3A_229 = arith.cmpf olt, %add3A_225, %get3A_228 : vector<512x128xf32>
    %mul3A_230 = arith.constant 32 : i32
    %mul3A_231 = arith.muli %arg1, %mul3A_230 : i32
    %add3A_232 = arith.constant 8 : i32
    %add3A_233 = arith.addi %mul3A_231, %add3A_232 : i32
    %get3A_234 = arith.constant 0 : index
    %get3A_235 = arith.constant 0 : index
    %get3A_236 = vector.load %arg8[%get3A_234, %get3A_235] : memref<512x128xi32, #tpu.memory_space<vmem>>, vector<512x128xi32>
    %broadcast_in_dim3A_237 = vector.broadcast %add3A_233 : i32 to vector<512x128xi32>
    %select_n3A_238 = arith.select %lt3A_229, %broadcast_in_dim3A_237, %get3A_236 : vector<512x128xi1>, vector<512x128xi32>
    %swap3A_239 = arith.constant 0 : index
    %swap3A_240 = arith.constant 0 : index
    %swap3A_241 = vector.load %arg8[%swap3A_239, %swap3A_240] : memref<512x128xi32, #tpu.memory_space<vmem>>, vector<512x128xi32>
    tpu.vector_store %arg8[%swap3A_239, %swap3A_240], %select_n3A_238 {strides = array<i32>} : memref<512x128xi32, #tpu.memory_space<vmem>>, vector<512x128xi32>,
    %select_n3A_242 = arith.select %lt3A_229, %add3A_225, %get3A_228 : vector<512x128xi1>, vector<512x128xf32>
    %swap3A_243 = arith.constant 0 : index
    %swap3A_244 = arith.constant 0 : index
    %swap3A_245 = vector.load %arg7[%swap3A_243, %swap3A_244] : memref<512x128xf32, #tpu.memory_space<vmem>>, vector<512x128xf32>
    tpu.vector_store %arg7[%swap3A_243, %swap3A_244], %select_n3A_242 {strides = array<i32>} : memref<512x128xf32, #tpu.memory_space<vmem>>, vector<512x128xf32>,
    %slice3A_246 = vector.extract_strided_slice %get3A_17 {offsets = [0, 1152], sizes = [1, 128], strides = [1, 1]} : vector<1x4096xf32> to vector<1x128xf32>
    %add3A_247 = vector.broadcast %get3A_14 : vector<512x1xf32> to vector<512x128xf32>
    %add3A_248 = vector.broadcast %slice3A_246 : vector<1x128xf32> to vector<512x128xf32>
    %add3A_249 = arith.addf %add3A_247, %add3A_248 : vector<512x128xf32>
    %slice3A_250 = vector.extract_strided_slice %dot_general3A_11 {offsets = [0, 1152], sizes = [512, 128], strides = [1, 1]} : vector<512x4096xf32> to vector<512x128xf32>
    %add3A_251 = arith.addf %add3A_249, %slice3A_250 : vector<512x128xf32>
    %get3A_252 = arith.constant 0 : index
    %get3A_253 = arith.constant 0 : index
    %get3A_254 = vector.load %arg7[%get3A_252, %get3A_253] : memref<512x128xf32, #tpu.memory_space<vmem>>, vector<512x128xf32>
    %lt3A_255 = arith.cmpf olt, %add3A_251, %get3A_254 : vector<512x128xf32>
    %mul3A_256 = arith.constant 32 : i32
    %mul3A_257 = arith.muli %arg1, %mul3A_256 : i32
    %add3A_258 = arith.constant 9 : i32
    %add3A_259 = arith.addi %mul3A_257, %add3A_258 : i32
    %get3A_260 = arith.constant 0 : index
    %get3A_261 = arith.constant 0 : index
    %get3A_262 = vector.load %arg8[%get3A_260, %get3A_261] : memref<512x128xi32, #tpu.memory_space<vmem>>, vector<512x128xi32>
    %broadcast_in_dim3A_263 = vector.broadcast %add3A_259 : i32 to vector<512x128xi32>
    %select_n3A_264 = arith.select %lt3A_255, %broadcast_in_dim3A_263, %get3A_262 : vector<512x128xi1>, vector<512x128xi32>
    %swap3A_265 = arith.constant 0 : index
    %swap3A_266 = arith.constant 0 : index
    %swap3A_267 = vector.load %arg8[%swap3A_265, %swap3A_266] : memref<512x128xi32, #tpu.memory_space<vmem>>, vector<512x128xi32>
    tpu.vector_store %arg8[%swap3A_265, %swap3A_266], %select_n3A_264 {strides = array<i32>} : memref<512x128xi32, #tpu.memory_space<vmem>>, vector<512x128xi32>,
    %select_n3A_268 = arith.select %lt3A_255, %add3A_251, %get3A_254 : vector<512x128xi1>, vector<512x128xf32>
    %swap3A_269 = arith.constant 0 : index
    %swap3A_270 = arith.constant 0 : index
    %swap3A_271 = vector.load %arg7[%swap3A_269, %swap3A_270] : memref<512x128xf32, #tpu.memory_space<vmem>>, vector<512x128xf32>
    tpu.vector_store %arg7[%swap3A_269, %swap3A_270], %select_n3A_268 {strides = array<i32>} : memref<512x128xf32, #tpu.memory_space<vmem>>, vector<512x128xf32>,
    %slice3A_272 = vector.extract_strided_slice %get3A_17 {offsets = [0, 1280], sizes = [1, 128], strides = [1, 1]} : vector<1x4096xf32> to vector<1x128xf32>
    %add3A_273 = vector.broadcast %get3A_14 : vector<512x1xf32> to vector<512x128xf32>
    %add3A_274 = vector.broadcast %slice3A_272 : vector<1x128xf32> to vector<512x128xf32>
    %add3A_275 = arith.addf %add3A_273, %add3A_274 : vector<512x128xf32>
    %slice3A_276 = vector.extract_strided_slice %dot_general3A_11 {offsets = [0, 1280], sizes = [512, 128], strides = [1, 1]} : vector<512x4096xf32> to vector<512x128xf32>
    %add3A_277 = arith.addf %add3A_275, %slice3A_276 : vector<512x128xf32>
    %get3A_278 = arith.constant 0 : index
    %get3A_279 = arith.constant 0 : index
    %get3A_280 = vector.load %arg7[%get3A_278, %get3A_279] : memref<512x128xf32, #tpu.memory_space<vmem>>, vector<512x128xf32>
    %lt3A_281 = arith.cmpf olt, %add3A_277, %get3A_280 : vector<512x128xf32>
    %mul3A_282 = arith.constant 32 : i32
    %mul3A_283 = arith.muli %arg1, %mul3A_282 : i32
    %add3A_284 = arith.constant 10 : i32
    %add3A_285 = arith.addi %mul3A_283, %add3A_284 : i32
    %get3A_286 = arith.constant 0 : index
    %get3A_287 = arith.constant 0 : index
    %get3A_288 = vector.load %arg8[%get3A_286, %get3A_287] : memref<512x128xi32, #tpu.memory_space<vmem>>, vector<512x128xi32>
    %broadcast_in_dim3A_289 = vector.broadcast %add3A_285 : i32 to vector<512x128xi32>
    %select_n3A_290 = arith.select %lt3A_281, %broadcast_in_dim3A_289, %get3A_288 : vector<512x128xi1>, vector<512x128xi32>
    %swap3A_291 = arith.constant 0 : index
    %swap3A_292 = arith.constant 0 : index
    %swap3A_293 = vector.load %arg8[%swap3A_291, %swap3A_292] : memref<512x128xi32, #tpu.memory_space<vmem>>, vector<512x128xi32>
    tpu.vector_store %arg8[%swap3A_291, %swap3A_292], %select_n3A_290 {strides = array<i32>} : memref<512x128xi32, #tpu.memory_space<vmem>>, vector<512x128xi32>,
    %select_n3A_294 = arith.select %lt3A_281, %add3A_277, %get3A_280 : vector<512x128xi1>, vector<512x128xf32>
    %swap3A_295 = arith.constant 0 : index
    %swap3A_296 = arith.constant 0 : index
    %swap3A_297 = vector.load %arg7[%swap3A_295, %swap3A_296] : memref<512x128xf32, #tpu.memory_space<vmem>>, vector<512x128xf32>
    tpu.vector_store %arg7[%swap3A_295, %swap3A_296], %select_n3A_294 {strides = array<i32>} : memref<512x128xf32, #tpu.memory_space<vmem>>, vector<512x128xf32>,
    %slice3A_298 = vector.extract_strided_slice %get3A_17 {offsets = [0, 1408], sizes = [1, 128], strides = [1, 1]} : vector<1x4096xf32> to vector<1x128xf32>
    %add3A_299 = vector.broadcast %get3A_14 : vector<512x1xf32> to vector<512x128xf32>
    %add3A_300 = vector.broadcast %slice3A_298 : vector<1x128xf32> to vector<512x128xf32>
    %add3A_301 = arith.addf %add3A_299, %add3A_300 : vector<512x128xf32>
    %slice3A_302 = vector.extract_strided_slice %dot_general3A_11 {offsets = [0, 1408], sizes = [512, 128], strides = [1, 1]} : vector<512x4096xf32> to vector<512x128xf32>
    %add3A_303 = arith.addf %add3A_301, %slice3A_302 : vector<512x128xf32>
    %get3A_304 = arith.constant 0 : index
    %get3A_305 = arith.constant 0 : index
    %get3A_306 = vector.load %arg7[%get3A_304, %get3A_305] : memref<512x128xf32, #tpu.memory_space<vmem>>, vector<512x128xf32>
    %lt3A_307 = arith.cmpf olt, %add3A_303, %get3A_306 : vector<512x128xf32>
    %mul3A_308 = arith.constant 32 : i32
    %mul3A_309 = arith.muli %arg1, %mul3A_308 : i32
    %add3A_310 = arith.constant 11 : i32
    %add3A_311 = arith.addi %mul3A_309, %add3A_310 : i32
    %get3A_312 = arith.constant 0 : index
    %get3A_313 = arith.constant 0 : index
    %get3A_314 = vector.load %arg8[%get3A_312, %get3A_313] : memref<512x128xi32, #tpu.memory_space<vmem>>, vector<512x128xi32>
    %broadcast_in_dim3A_315 = vector.broadcast %add3A_311 : i32 to vector<512x128xi32>
    %select_n3A_316 = arith.select %lt3A_307, %broadcast_in_dim3A_315, %get3A_314 : vector<512x128xi1>, vector<512x128xi32>
    %swap3A_317 = arith.constant 0 : index
    %swap3A_318 = arith.constant 0 : index
    %swap3A_319 = vector.load %arg8[%swap3A_317, %swap3A_318] : memref<512x128xi32, #tpu.memory_space<vmem>>, vector<512x128xi32>
    tpu.vector_store %arg8[%swap3A_317, %swap3A_318], %select_n3A_316 {strides = array<i32>} : memref<512x128xi32, #tpu.memory_space<vmem>>, vector<512x128xi32>,
    %select_n3A_320 = arith.select %lt3A_307, %add3A_303, %get3A_306 : vector<512x128xi1>, vector<512x128xf32>
    %swap3A_321 = arith.constant 0 : index
    %swap3A_322 = arith.constant 0 : index
    %swap3A_323 = vector.load %arg7[%swap3A_321, %swap3A_322] : memref<512x128xf32, #tpu.memory_space<vmem>>, vector<512x128xf32>
    tpu.vector_store %arg7[%swap3A_321, %swap3A_322], %select_n3A_320 {strides = array<i32>} : memref<512x128xf32, #tpu.memory_space<vmem>>, vector<512x128xf32>,
    %slice3A_324 = vector.extract_strided_slice %get3A_17 {offsets = [0, 1536], sizes = [1, 128], strides = [1, 1]} : vector<1x4096xf32> to vector<1x128xf32>
    %add3A_325 = vector.broadcast %get3A_14 : vector<512x1xf32> to vector<512x128xf32>
    %add3A_326 = vector.broadcast %slice3A_324 : vector<1x128xf32> to vector<512x128xf32>
    %add3A_327 = arith.addf %add3A_325, %add3A_326 : vector<512x128xf32>
    %slice3A_328 = vector.extract_strided_slice %dot_general3A_11 {offsets = [0, 1536], sizes = [512, 128], strides = [1, 1]} : vector<512x4096xf32> to vector<512x128xf32>
    %add3A_329 = arith.addf %add3A_327, %slice3A_328 : vector<512x128xf32>
    %get3A_330 = arith.constant 0 : index
    %get3A_331 = arith.constant 0 : index
    %get3A_332 = vector.load %arg7[%get3A_330, %get3A_331] : memref<512x128xf32, #tpu.memory_space<vmem>>, vector<512x128xf32>
    %lt3A_333 = arith.cmpf olt, %add3A_329, %get3A_332 : vector<512x128xf32>
    %mul3A_334 = arith.constant 32 : i32
    %mul3A_335 = arith.muli %arg1, %mul3A_334 : i32
    %add3A_336 = arith.constant 12 : i32
    %add3A_337 = arith.addi %mul3A_335, %add3A_336 : i32
    %get3A_338 = arith.constant 0 : index
    %get3A_339 = arith.constant 0 : index
    %get3A_340 = vector.load %arg8[%get3A_338, %get3A_339] : memref<512x128xi32, #tpu.memory_space<vmem>>, vector<512x128xi32>
    %broadcast_in_dim3A_341 = vector.broadcast %add3A_337 : i32 to vector<512x128xi32>
    %select_n3A_342 = arith.select %lt3A_333, %broadcast_in_dim3A_341, %get3A_340 : vector<512x128xi1>, vector<512x128xi32>
    %swap3A_343 = arith.constant 0 : index
    %swap3A_344 = arith.constant 0 : index
    %swap3A_345 = vector.load %arg8[%swap3A_343, %swap3A_344] : memref<512x128xi32, #tpu.memory_space<vmem>>, vector<512x128xi32>
    tpu.vector_store %arg8[%swap3A_343, %swap3A_344], %select_n3A_342 {strides = array<i32>} : memref<512x128xi32, #tpu.memory_space<vmem>>, vector<512x128xi32>,
    %select_n3A_346 = arith.select %lt3A_333, %add3A_329, %get3A_332 : vector<512x128xi1>, vector<512x128xf32>
    %swap3A_347 = arith.constant 0 : index
    %swap3A_348 = arith.constant 0 : index
    %swap3A_349 = vector.load %arg7[%swap3A_347, %swap3A_348] : memref<512x128xf32, #tpu.memory_space<vmem>>, vector<512x128xf32>
    tpu.vector_store %arg7[%swap3A_347, %swap3A_348], %select_n3A_346 {strides = array<i32>} : memref<512x128xf32, #tpu.memory_space<vmem>>, vector<512x128xf32>,
    %slice3A_350 = vector.extract_strided_slice %get3A_17 {offsets = [0, 1664], sizes = [1, 128], strides = [1, 1]} : vector<1x4096xf32> to vector<1x128xf32>
    %add3A_351 = vector.broadcast %get3A_14 : vector<512x1xf32> to vector<512x128xf32>
    %add3A_352 = vector.broadcast %slice3A_350 : vector<1x128xf32> to vector<512x128xf32>
    %add3A_353 = arith.addf %add3A_351, %add3A_352 : vector<512x128xf32>
    %slice3A_354 = vector.extract_strided_slice %dot_general3A_11 {offsets = [0, 1664], sizes = [512, 128], strides = [1, 1]} : vector<512x4096xf32> to vector<512x128xf32>
    %add3A_355 = arith.addf %add3A_353, %slice3A_354 : vector<512x128xf32>
    %get3A_356 = arith.constant 0 : index
    %get3A_357 = arith.constant 0 : index
    %get3A_358 = vector.load %arg7[%get3A_356, %get3A_357] : memref<512x128xf32, #tpu.memory_space<vmem>>, vector<512x128xf32>
    %lt3A_359 = arith.cmpf olt, %add3A_355, %get3A_358 : vector<512x128xf32>
    %mul3A_360 = arith.constant 32 : i32
    %mul3A_361 = arith.muli %arg1, %mul3A_360 : i32
    %add3A_362 = arith.constant 13 : i32
    %add3A_363 = arith.addi %mul3A_361, %add3A_362 : i32
    %get3A_364 = arith.constant 0 : index
    %get3A_365 = arith.constant 0 : index
    %get3A_366 = vector.load %arg8[%get3A_364, %get3A_365] : memref<512x128xi32, #tpu.memory_space<vmem>>, vector<512x128xi32>
    %broadcast_in_dim3A_367 = vector.broadcast %add3A_363 : i32 to vector<512x128xi32>
    %select_n3A_368 = arith.select %lt3A_359, %broadcast_in_dim3A_367, %get3A_366 : vector<512x128xi1>, vector<512x128xi32>
    %swap3A_369 = arith.constant 0 : index
    %swap3A_370 = arith.constant 0 : index
    %swap3A_371 = vector.load %arg8[%swap3A_369, %swap3A_370] : memref<512x128xi32, #tpu.memory_space<vmem>>, vector<512x128xi32>
    tpu.vector_store %arg8[%swap3A_369, %swap3A_370], %select_n3A_368 {strides = array<i32>} : memref<512x128xi32, #tpu.memory_space<vmem>>, vector<512x128xi32>,
    %select_n3A_372 = arith.select %lt3A_359, %add3A_355, %get3A_358 : vector<512x128xi1>, vector<512x128xf32>
    %swap3A_373 = arith.constant 0 : index
    %swap3A_374 = arith.constant 0 : index
    %swap3A_375 = vector.load %arg7[%swap3A_373, %swap3A_374] : memref<512x128xf32, #tpu.memory_space<vmem>>, vector<512x128xf32>
    tpu.vector_store %arg7[%swap3A_373, %swap3A_374], %select_n3A_372 {strides = array<i32>} : memref<512x128xf32, #tpu.memory_space<vmem>>, vector<512x128xf32>,
    %slice3A_376 = vector.extract_strided_slice %get3A_17 {offsets = [0, 1792], sizes = [1, 128], strides = [1, 1]} : vector<1x4096xf32> to vector<1x128xf32>
    %add3A_377 = vector.broadcast %get3A_14 : vector<512x1xf32> to vector<512x128xf32>
    %add3A_378 = vector.broadcast %slice3A_376 : vector<1x128xf32> to vector<512x128xf32>
    %add3A_379 = arith.addf %add3A_377, %add3A_378 : vector<512x128xf32>
    %slice3A_380 = vector.extract_strided_slice %dot_general3A_11 {offsets = [0, 1792], sizes = [512, 128], strides = [1, 1]} : vector<512x4096xf32> to vector<512x128xf32>
    %add3A_381 = arith.addf %add3A_379, %slice3A_380 : vector<512x128xf32>
    %get3A_382 = arith.constant 0 : index
    %get3A_383 = arith.constant 0 : index
    %get3A_384 = vector.load %arg7[%get3A_382, %get3A_383] : memref<512x128xf32, #tpu.memory_space<vmem>>, vector<512x128xf32>
    %lt3A_385 = arith.cmpf olt, %add3A_381, %get3A_384 : vector<512x128xf32>
    %mul3A_386 = arith.constant 32 : i32
    %mul3A_387 = arith.muli %arg1, %mul3A_386 : i32
    %add3A_388 = arith.constant 14 : i32
    %add3A_389 = arith.addi %mul3A_387, %add3A_388 : i32
    %get3A_390 = arith.constant 0 : index
    %get3A_391 = arith.constant 0 : index
    %get3A_392 = vector.load %arg8[%get3A_390, %get3A_391] : memref<512x128xi32, #tpu.memory_space<vmem>>, vector<512x128xi32>
    %broadcast_in_dim3A_393 = vector.broadcast %add3A_389 : i32 to vector<512x128xi32>
    %select_n3A_394 = arith.select %lt3A_385, %broadcast_in_dim3A_393, %get3A_392 : vector<512x128xi1>, vector<512x128xi32>
    %swap3A_395 = arith.constant 0 : index
    %swap3A_396 = arith.constant 0 : index
    %swap3A_397 = vector.load %arg8[%swap3A_395, %swap3A_396] : memref<512x128xi32, #tpu.memory_space<vmem>>, vector<512x128xi32>
    tpu.vector_store %arg8[%swap3A_395, %swap3A_396], %select_n3A_394 {strides = array<i32>} : memref<512x128xi32, #tpu.memory_space<vmem>>, vector<512x128xi32>,
    %select_n3A_398 = arith.select %lt3A_385, %add3A_381, %get3A_384 : vector<512x128xi1>, vector<512x128xf32>
    %swap3A_399 = arith.constant 0 : index
    %swap3A_400 = arith.constant 0 : index
    %swap3A_401 = vector.load %arg7[%swap3A_399, %swap3A_400] : memref<512x128xf32, #tpu.memory_space<vmem>>, vector<512x128xf32>
    tpu.vector_store %arg7[%swap3A_399, %swap3A_400], %select_n3A_398 {strides = array<i32>} : memref<512x128xf32, #tpu.memory_space<vmem>>, vector<512x128xf32>,
    %slice3A_402 = vector.extract_strided_slice %get3A_17 {offsets = [0, 1920], sizes = [1, 128], strides = [1, 1]} : vector<1x4096xf32> to vector<1x128xf32>
    %add3A_403 = vector.broadcast %get3A_14 : vector<512x1xf32> to vector<512x128xf32>
    %add3A_404 = vector.broadcast %slice3A_402 : vector<1x128xf32> to vector<512x128xf32>
    %add3A_405 = arith.addf %add3A_403, %add3A_404 : vector<512x128xf32>
    %slice3A_406 = vector.extract_strided_slice %dot_general3A_11 {offsets = [0, 1920], sizes = [512, 128], strides = [1, 1]} : vector<512x4096xf32> to vector<512x128xf32>
    %add3A_407 = arith.addf %add3A_405, %slice3A_406 : vector<512x128xf32>
    %get3A_408 = arith.constant 0 : index
    %get3A_409 = arith.constant 0 : index
    %get3A_410 = vector.load %arg7[%get3A_408, %get3A_409] : memref<512x128xf32, #tpu.memory_space<vmem>>, vector<512x128xf32>
    %lt3A_411 = arith.cmpf olt, %add3A_407, %get3A_410 : vector<512x128xf32>
    %mul3A_412 = arith.constant 32 : i32
    %mul3A_413 = arith.muli %arg1, %mul3A_412 : i32
    %add3A_414 = arith.constant 15 : i32
    %add3A_415 = arith.addi %mul3A_413, %add3A_414 : i32
    %get3A_416 = arith.constant 0 : index
    %get3A_417 = arith.constant 0 : index
    %get3A_418 = vector.load %arg8[%get3A_416, %get3A_417] : memref<512x128xi32, #tpu.memory_space<vmem>>, vector<512x128xi32>
    %broadcast_in_dim3A_419 = vector.broadcast %add3A_415 : i32 to vector<512x128xi32>
    %select_n3A_420 = arith.select %lt3A_411, %broadcast_in_dim3A_419, %get3A_418 : vector<512x128xi1>, vector<512x128xi32>
    %swap3A_421 = arith.constant 0 : index
    %swap3A_422 = arith.constant 0 : index
    %swap3A_423 = vector.load %arg8[%swap3A_421, %swap3A_422] : memref<512x128xi32, #tpu.memory_space<vmem>>, vector<512x128xi32>
    tpu.vector_store %arg8[%swap3A_421, %swap3A_422], %select_n3A_420 {strides = array<i32>} : memref<512x128xi32, #tpu.memory_space<vmem>>, vector<512x128xi32>,
    %select_n3A_424 = arith.select %lt3A_411, %add3A_407, %get3A_410 : vector<512x128xi1>, vector<512x128xf32>
    %swap3A_425 = arith.constant 0 : index
    %swap3A_426 = arith.constant 0 : index
    %swap3A_427 = vector.load %arg7[%swap3A_425, %swap3A_426] : memref<512x128xf32, #tpu.memory_space<vmem>>, vector<512x128xf32>
    tpu.vector_store %arg7[%swap3A_425, %swap3A_426], %select_n3A_424 {strides = array<i32>} : memref<512x128xf32, #tpu.memory_space<vmem>>, vector<512x128xf32>,
    %slice3A_428 = vector.extract_strided_slice %get3A_17 {offsets = [0, 2048], sizes = [1, 128], strides = [1, 1]} : vector<1x4096xf32> to vector<1x128xf32>
    %add3A_429 = vector.broadcast %get3A_14 : vector<512x1xf32> to vector<512x128xf32>
    %add3A_430 = vector.broadcast %slice3A_428 : vector<1x128xf32> to vector<512x128xf32>
    %add3A_431 = arith.addf %add3A_429, %add3A_430 : vector<512x128xf32>
    %slice3A_432 = vector.extract_strided_slice %dot_general3A_11 {offsets = [0, 2048], sizes = [512, 128], strides = [1, 1]} : vector<512x4096xf32> to vector<512x128xf32>
    %add3A_433 = arith.addf %add3A_431, %slice3A_432 : vector<512x128xf32>
    %get3A_434 = arith.constant 0 : index
    %get3A_435 = arith.constant 0 : index
    %get3A_436 = vector.load %arg7[%get3A_434, %get3A_435] : memref<512x128xf32, #tpu.memory_space<vmem>>, vector<512x128xf32>
    %lt3A_437 = arith.cmpf olt, %add3A_433, %get3A_436 : vector<512x128xf32>
    %mul3A_438 = arith.constant 32 : i32
    %mul3A_439 = arith.muli %arg1, %mul3A_438 : i32
    %add3A_440 = arith.constant 16 : i32
    %add3A_441 = arith.addi %mul3A_439, %add3A_440 : i32
    %get3A_442 = arith.constant 0 : index
    %get3A_443 = arith.constant 0 : index
    %get3A_444 = vector.load %arg8[%get3A_442, %get3A_443] : memref<512x128xi32, #tpu.memory_space<vmem>>, vector<512x128xi32>
    %broadcast_in_dim3A_445 = vector.broadcast %add3A_441 : i32 to vector<512x128xi32>
    %select_n3A_446 = arith.select %lt3A_437, %broadcast_in_dim3A_445, %get3A_444 : vector<512x128xi1>, vector<512x128xi32>
    %swap3A_447 = arith.constant 0 : index
    %swap3A_448 = arith.constant 0 : index
    %swap3A_449 = vector.load %arg8[%swap3A_447, %swap3A_448] : memref<512x128xi32, #tpu.memory_space<vmem>>, vector<512x128xi32>
    tpu.vector_store %arg8[%swap3A_447, %swap3A_448], %select_n3A_446 {strides = array<i32>} : memref<512x128xi32, #tpu.memory_space<vmem>>, vector<512x128xi32>,
    %select_n3A_450 = arith.select %lt3A_437, %add3A_433, %get3A_436 : vector<512x128xi1>, vector<512x128xf32>
    %swap3A_451 = arith.constant 0 : index
    %swap3A_452 = arith.constant 0 : index
    %swap3A_453 = vector.load %arg7[%swap3A_451, %swap3A_452] : memref<512x128xf32, #tpu.memory_space<vmem>>, vector<512x128xf32>
    tpu.vector_store %arg7[%swap3A_451, %swap3A_452], %select_n3A_450 {strides = array<i32>} : memref<512x128xf32, #tpu.memory_space<vmem>>, vector<512x128xf32>,
    %slice3A_454 = vector.extract_strided_slice %get3A_17 {offsets = [0, 2176], sizes = [1, 128], strides = [1, 1]} : vector<1x4096xf32> to vector<1x128xf32>
    %add3A_455 = vector.broadcast %get3A_14 : vector<512x1xf32> to vector<512x128xf32>
    %add3A_456 = vector.broadcast %slice3A_454 : vector<1x128xf32> to vector<512x128xf32>
    %add3A_457 = arith.addf %add3A_455, %add3A_456 : vector<512x128xf32>
    %slice3A_458 = vector.extract_strided_slice %dot_general3A_11 {offsets = [0, 2176], sizes = [512, 128], strides = [1, 1]} : vector<512x4096xf32> to vector<512x128xf32>
    %add3A_459 = arith.addf %add3A_457, %slice3A_458 : vector<512x128xf32>
    %get3A_460 = arith.constant 0 : index
    %get3A_461 = arith.constant 0 : index
    %get3A_462 = vector.load %arg7[%get3A_460, %get3A_461] : memref<512x128xf32, #tpu.memory_space<vmem>>, vector<512x128xf32>
    %lt3A_463 = arith.cmpf olt, %add3A_459, %get3A_462 : vector<512x128xf32>
    %mul3A_464 = arith.constant 32 : i32
    %mul3A_465 = arith.muli %arg1, %mul3A_464 : i32
    %add3A_466 = arith.constant 17 : i32
    %add3A_467 = arith.addi %mul3A_465, %add3A_466 : i32
    %get3A_468 = arith.constant 0 : index
    %get3A_469 = arith.constant 0 : index
    %get3A_470 = vector.load %arg8[%get3A_468, %get3A_469] : memref<512x128xi32, #tpu.memory_space<vmem>>, vector<512x128xi32>
    %broadcast_in_dim3A_471 = vector.broadcast %add3A_467 : i32 to vector<512x128xi32>
    %select_n3A_472 = arith.select %lt3A_463, %broadcast_in_dim3A_471, %get3A_470 : vector<512x128xi1>, vector<512x128xi32>
    %swap3A_473 = arith.constant 0 : index
    %swap3A_474 = arith.constant 0 : index
    %swap3A_475 = vector.load %arg8[%swap3A_473, %swap3A_474] : memref<512x128xi32, #tpu.memory_space<vmem>>, vector<512x128xi32>
    tpu.vector_store %arg8[%swap3A_473, %swap3A_474], %select_n3A_472 {strides = array<i32>} : memref<512x128xi32, #tpu.memory_space<vmem>>, vector<512x128xi32>,
    %select_n3A_476 = arith.select %lt3A_463, %add3A_459, %get3A_462 : vector<512x128xi1>, vector<512x128xf32>
    %swap3A_477 = arith.constant 0 : index
    %swap3A_478 = arith.constant 0 : index
    %swap3A_479 = vector.load %arg7[%swap3A_477, %swap3A_478] : memref<512x128xf32, #tpu.memory_space<vmem>>, vector<512x128xf32>
    tpu.vector_store %arg7[%swap3A_477, %swap3A_478], %select_n3A_476 {strides = array<i32>} : memref<512x128xf32, #tpu.memory_space<vmem>>, vector<512x128xf32>,
    %slice3A_480 = vector.extract_strided_slice %get3A_17 {offsets = [0, 2304], sizes = [1, 128], strides = [1, 1]} : vector<1x4096xf32> to vector<1x128xf32>
    %add3A_481 = vector.broadcast %get3A_14 : vector<512x1xf32> to vector<512x128xf32>
    %add3A_482 = vector.broadcast %slice3A_480 : vector<1x128xf32> to vector<512x128xf32>
    %add3A_483 = arith.addf %add3A_481, %add3A_482 : vector<512x128xf32>
    %slice3A_484 = vector.extract_strided_slice %dot_general3A_11 {offsets = [0, 2304], sizes = [512, 128], strides = [1, 1]} : vector<512x4096xf32> to vector<512x128xf32>
    %add3A_485 = arith.addf %add3A_483, %slice3A_484 : vector<512x128xf32>
    %get3A_486 = arith.constant 0 : index
    %get3A_487 = arith.constant 0 : index
    %get3A_488 = vector.load %arg7[%get3A_486, %get3A_487] : memref<512x128xf32, #tpu.memory_space<vmem>>, vector<512x128xf32>
    %lt3A_489 = arith.cmpf olt, %add3A_485, %get3A_488 : vector<512x128xf32>
    %mul3A_490 = arith.constant 32 : i32
    %mul3A_491 = arith.muli %arg1, %mul3A_490 : i32
    %add3A_492 = arith.constant 18 : i32
    %add3A_493 = arith.addi %mul3A_491, %add3A_492 : i32
    %get3A_494 = arith.constant 0 : index
    %get3A_495 = arith.constant 0 : index
    %get3A_496 = vector.load %arg8[%get3A_494, %get3A_495] : memref<512x128xi32, #tpu.memory_space<vmem>>, vector<512x128xi32>
    %broadcast_in_dim3A_497 = vector.broadcast %add3A_493 : i32 to vector<512x128xi32>
    %select_n3A_498 = arith.select %lt3A_489, %broadcast_in_dim3A_497, %get3A_496 : vector<512x128xi1>, vector<512x128xi32>
    %swap3A_499 = arith.constant 0 : index
    %swap3A_500 = arith.constant 0 : index
    %swap3A_501 = vector.load %arg8[%swap3A_499, %swap3A_500] : memref<512x128xi32, #tpu.memory_space<vmem>>, vector<512x128xi32>
    tpu.vector_store %arg8[%swap3A_499, %swap3A_500], %select_n3A_498 {strides = array<i32>} : memref<512x128xi32, #tpu.memory_space<vmem>>, vector<512x128xi32>,
    %select_n3A_502 = arith.select %lt3A_489, %add3A_485, %get3A_488 : vector<512x128xi1>, vector<512x128xf32>
    %swap3A_503 = arith.constant 0 : index
    %swap3A_504 = arith.constant 0 : index
    %swap3A_505 = vector.load %arg7[%swap3A_503, %swap3A_504] : memref<512x128xf32, #tpu.memory_space<vmem>>, vector<512x128xf32>
    tpu.vector_store %arg7[%swap3A_503, %swap3A_504], %select_n3A_502 {strides = array<i32>} : memref<512x128xf32, #tpu.memory_space<vmem>>, vector<512x128xf32>,
    %slice3A_506 = vector.extract_strided_slice %get3A_17 {offsets = [0, 2432], sizes = [1, 128], strides = [1, 1]} : vector<1x4096xf32> to vector<1x128xf32>
    %add3A_507 = vector.broadcast %get3A_14 : vector<512x1xf32> to vector<512x128xf32>
    %add3A_508 = vector.broadcast %slice3A_506 : vector<1x128xf32> to vector<512x128xf32>
    %add3A_509 = arith.addf %add3A_507, %add3A_508 : vector<512x128xf32>
    %slice3A_510 = vector.extract_strided_slice %dot_general3A_11 {offsets = [0, 2432], sizes = [512, 128], strides = [1, 1]} : vector<512x4096xf32> to vector<512x128xf32>
    %add3A_511 = arith.addf %add3A_509, %slice3A_510 : vector<512x128xf32>
    %get3A_512 = arith.constant 0 : index
    %get3A_513 = arith.constant 0 : index
    %get3A_514 = vector.load %arg7[%get3A_512, %get3A_513] : memref<512x128xf32, #tpu.memory_space<vmem>>, vector<512x128xf32>
    %lt3A_515 = arith.cmpf olt, %add3A_511, %get3A_514 : vector<512x128xf32>
    %mul3A_516 = arith.constant 32 : i32
    %mul3A_517 = arith.muli %arg1, %mul3A_516 : i32
    %add3A_518 = arith.constant 19 : i32
    %add3A_519 = arith.addi %mul3A_517, %add3A_518 : i32
    %get3A_520 = arith.constant 0 : index
    %get3A_521 = arith.constant 0 : index
    %get3A_522 = vector.load %arg8[%get3A_520, %get3A_521] : memref<512x128xi32, #tpu.memory_space<vmem>>, vector<512x128xi32>
    %broadcast_in_dim3A_523 = vector.broadcast %add3A_519 : i32 to vector<512x128xi32>
    %select_n3A_524 = arith.select %lt3A_515, %broadcast_in_dim3A_523, %get3A_522 : vector<512x128xi1>, vector<512x128xi32>
    %swap3A_525 = arith.constant 0 : index
    %swap3A_526 = arith.constant 0 : index
    %swap3A_527 = vector.load %arg8[%swap3A_525, %swap3A_526] : memref<512x128xi32, #tpu.memory_space<vmem>>, vector<512x128xi32>
    tpu.vector_store %arg8[%swap3A_525, %swap3A_526], %select_n3A_524 {strides = array<i32>} : memref<512x128xi32, #tpu.memory_space<vmem>>, vector<512x128xi32>,
    %select_n3A_528 = arith.select %lt3A_515, %add3A_511, %get3A_514 : vector<512x128xi1>, vector<512x128xf32>
    %swap3A_529 = arith.constant 0 : index
    %swap3A_530 = arith.constant 0 : index
    %swap3A_531 = vector.load %arg7[%swap3A_529, %swap3A_530] : memref<512x128xf32, #tpu.memory_space<vmem>>, vector<512x128xf32>
    tpu.vector_store %arg7[%swap3A_529, %swap3A_530], %select_n3A_528 {strides = array<i32>} : memref<512x128xf32, #tpu.memory_space<vmem>>, vector<512x128xf32>,
    %slice3A_532 = vector.extract_strided_slice %get3A_17 {offsets = [0, 2560], sizes = [1, 128], strides = [1, 1]} : vector<1x4096xf32> to vector<1x128xf32>
    %add3A_533 = vector.broadcast %get3A_14 : vector<512x1xf32> to vector<512x128xf32>
    %add3A_534 = vector.broadcast %slice3A_532 : vector<1x128xf32> to vector<512x128xf32>
    %add3A_535 = arith.addf %add3A_533, %add3A_534 : vector<512x128xf32>
    %slice3A_536 = vector.extract_strided_slice %dot_general3A_11 {offsets = [0, 2560], sizes = [512, 128], strides = [1, 1]} : vector<512x4096xf32> to vector<512x128xf32>
    %add3A_537 = arith.addf %add3A_535, %slice3A_536 : vector<512x128xf32>
    %get3A_538 = arith.constant 0 : index
    %get3A_539 = arith.constant 0 : index
    %get3A_540 = vector.load %arg7[%get3A_538, %get3A_539] : memref<512x128xf32, #tpu.memory_space<vmem>>, vector<512x128xf32>
    %lt3A_541 = arith.cmpf olt, %add3A_537, %get3A_540 : vector<512x128xf32>
    %mul3A_542 = arith.constant 32 : i32
    %mul3A_543 = arith.muli %arg1, %mul3A_542 : i32
    %add3A_544 = arith.constant 20 : i32
    %add3A_545 = arith.addi %mul3A_543, %add3A_544 : i32
    %get3A_546 = arith.constant 0 : index
    %get3A_547 = arith.constant 0 : index
    %get3A_548 = vector.load %arg8[%get3A_546, %get3A_547] : memref<512x128xi32, #tpu.memory_space<vmem>>, vector<512x128xi32>
    %broadcast_in_dim3A_549 = vector.broadcast %add3A_545 : i32 to vector<512x128xi32>
    %select_n3A_550 = arith.select %lt3A_541, %broadcast_in_dim3A_549, %get3A_548 : vector<512x128xi1>, vector<512x128xi32>
    %swap3A_551 = arith.constant 0 : index
    %swap3A_552 = arith.constant 0 : index
    %swap3A_553 = vector.load %arg8[%swap3A_551, %swap3A_552] : memref<512x128xi32, #tpu.memory_space<vmem>>, vector<512x128xi32>
    tpu.vector_store %arg8[%swap3A_551, %swap3A_552], %select_n3A_550 {strides = array<i32>} : memref<512x128xi32, #tpu.memory_space<vmem>>, vector<512x128xi32>,
    %select_n3A_554 = arith.select %lt3A_541, %add3A_537, %get3A_540 : vector<512x128xi1>, vector<512x128xf32>
    %swap3A_555 = arith.constant 0 : index
    %swap3A_556 = arith.constant 0 : index
    %swap3A_557 = vector.load %arg7[%swap3A_555, %swap3A_556] : memref<512x128xf32, #tpu.memory_space<vmem>>, vector<512x128xf32>
    tpu.vector_store %arg7[%swap3A_555, %swap3A_556], %select_n3A_554 {strides = array<i32>} : memref<512x128xf32, #tpu.memory_space<vmem>>, vector<512x128xf32>,
    %slice3A_558 = vector.extract_strided_slice %get3A_17 {offsets = [0, 2688], sizes = [1, 128], strides = [1, 1]} : vector<1x4096xf32> to vector<1x128xf32>
    %add3A_559 = vector.broadcast %get3A_14 : vector<512x1xf32> to vector<512x128xf32>
    %add3A_560 = vector.broadcast %slice3A_558 : vector<1x128xf32> to vector<512x128xf32>
    %add3A_561 = arith.addf %add3A_559, %add3A_560 : vector<512x128xf32>
    %slice3A_562 = vector.extract_strided_slice %dot_general3A_11 {offsets = [0, 2688], sizes = [512, 128], strides = [1, 1]} : vector<512x4096xf32> to vector<512x128xf32>
    %add3A_563 = arith.addf %add3A_561, %slice3A_562 : vector<512x128xf32>
    %get3A_564 = arith.constant 0 : index
    %get3A_565 = arith.constant 0 : index
    %get3A_566 = vector.load %arg7[%get3A_564, %get3A_565] : memref<512x128xf32, #tpu.memory_space<vmem>>, vector<512x128xf32>
    %lt3A_567 = arith.cmpf olt, %add3A_563, %get3A_566 : vector<512x128xf32>
    %mul3A_568 = arith.constant 32 : i32
    %mul3A_569 = arith.muli %arg1, %mul3A_568 : i32
    %add3A_570 = arith.constant 21 : i32
    %add3A_571 = arith.addi %mul3A_569, %add3A_570 : i32
    %get3A_572 = arith.constant 0 : index
    %get3A_573 = arith.constant 0 : index
    %get3A_574 = vector.load %arg8[%get3A_572, %get3A_573] : memref<512x128xi32, #tpu.memory_space<vmem>>, vector<512x128xi32>
    %broadcast_in_dim3A_575 = vector.broadcast %add3A_571 : i32 to vector<512x128xi32>
    %select_n3A_576 = arith.select %lt3A_567, %broadcast_in_dim3A_575, %get3A_574 : vector<512x128xi1>, vector<512x128xi32>
    %swap3A_577 = arith.constant 0 : index
    %swap3A_578 = arith.constant 0 : index
    %swap3A_579 = vector.load %arg8[%swap3A_577, %swap3A_578] : memref<512x128xi32, #tpu.memory_space<vmem>>, vector<512x128xi32>
    tpu.vector_store %arg8[%swap3A_577, %swap3A_578], %select_n3A_576 {strides = array<i32>} : memref<512x128xi32, #tpu.memory_space<vmem>>, vector<512x128xi32>,
    %select_n3A_580 = arith.select %lt3A_567, %add3A_563, %get3A_566 : vector<512x128xi1>, vector<512x128xf32>
    %swap3A_581 = arith.constant 0 : index
    %swap3A_582 = arith.constant 0 : index
    %swap3A_583 = vector.load %arg7[%swap3A_581, %swap3A_582] : memref<512x128xf32, #tpu.memory_space<vmem>>, vector<512x128xf32>
    tpu.vector_store %arg7[%swap3A_581, %swap3A_582], %select_n3A_580 {strides = array<i32>} : memref<512x128xf32, #tpu.memory_space<vmem>>, vector<512x128xf32>,
    %slice3A_584 = vector.extract_strided_slice %get3A_17 {offsets = [0, 2816], sizes = [1, 128], strides = [1, 1]} : vector<1x4096xf32> to vector<1x128xf32>
    %add3A_585 = vector.broadcast %get3A_14 : vector<512x1xf32> to vector<512x128xf32>
    %add3A_586 = vector.broadcast %slice3A_584 : vector<1x128xf32> to vector<512x128xf32>
    %add3A_587 = arith.addf %add3A_585, %add3A_586 : vector<512x128xf32>
    %slice3A_588 = vector.extract_strided_slice %dot_general3A_11 {offsets = [0, 2816], sizes = [512, 128], strides = [1, 1]} : vector<512x4096xf32> to vector<512x128xf32>
    %add3A_589 = arith.addf %add3A_587, %slice3A_588 : vector<512x128xf32>
    %get3A_590 = arith.constant 0 : index
    %get3A_591 = arith.constant 0 : index
    %get3A_592 = vector.load %arg7[%get3A_590, %get3A_591] : memref<512x128xf32, #tpu.memory_space<vmem>>, vector<512x128xf32>
    %lt3A_593 = arith.cmpf olt, %add3A_589, %get3A_592 : vector<512x128xf32>
    %mul3A_594 = arith.constant 32 : i32
    %mul3A_595 = arith.muli %arg1, %mul3A_594 : i32
    %add3A_596 = arith.constant 22 : i32
    %add3A_597 = arith.addi %mul3A_595, %add3A_596 : i32
    %get3A_598 = arith.constant 0 : index
    %get3A_599 = arith.constant 0 : index
    %get3A_600 = vector.load %arg8[%get3A_598, %get3A_599] : memref<512x128xi32, #tpu.memory_space<vmem>>, vector<512x128xi32>
    %broadcast_in_dim3A_601 = vector.broadcast %add3A_597 : i32 to vector<512x128xi32>
    %select_n3A_602 = arith.select %lt3A_593, %broadcast_in_dim3A_601, %get3A_600 : vector<512x128xi1>, vector<512x128xi32>
    %swap3A_603 = arith.constant 0 : index
    %swap3A_604 = arith.constant 0 : index
    %swap3A_605 = vector.load %arg8[%swap3A_603, %swap3A_604] : memref<512x128xi32, #tpu.memory_space<vmem>>, vector<512x128xi32>
    tpu.vector_store %arg8[%swap3A_603, %swap3A_604], %select_n3A_602 {strides = array<i32>} : memref<512x128xi32, #tpu.memory_space<vmem>>, vector<512x128xi32>,
    %select_n3A_606 = arith.select %lt3A_593, %add3A_589, %get3A_592 : vector<512x128xi1>, vector<512x128xf32>
    %swap3A_607 = arith.constant 0 : index
    %swap3A_608 = arith.constant 0 : index
    %swap3A_609 = vector.load %arg7[%swap3A_607, %swap3A_608] : memref<512x128xf32, #tpu.memory_space<vmem>>, vector<512x128xf32>
    tpu.vector_store %arg7[%swap3A_607, %swap3A_608], %select_n3A_606 {strides = array<i32>} : memref<512x128xf32, #tpu.memory_space<vmem>>, vector<512x128xf32>,
    %slice3A_610 = vector.extract_strided_slice %get3A_17 {offsets = [0, 2944], sizes = [1, 128], strides = [1, 1]} : vector<1x4096xf32> to vector<1x128xf32>
    %add3A_611 = vector.broadcast %get3A_14 : vector<512x1xf32> to vector<512x128xf32>
    %add3A_612 = vector.broadcast %slice3A_610 : vector<1x128xf32> to vector<512x128xf32>
    %add3A_613 = arith.addf %add3A_611, %add3A_612 : vector<512x128xf32>
    %slice3A_614 = vector.extract_strided_slice %dot_general3A_11 {offsets = [0, 2944], sizes = [512, 128], strides = [1, 1]} : vector<512x4096xf32> to vector<512x128xf32>
    %add3A_615 = arith.addf %add3A_613, %slice3A_614 : vector<512x128xf32>
    %get3A_616 = arith.constant 0 : index
    %get3A_617 = arith.constant 0 : index
    %get3A_618 = vector.load %arg7[%get3A_616, %get3A_617] : memref<512x128xf32, #tpu.memory_space<vmem>>, vector<512x128xf32>
    %lt3A_619 = arith.cmpf olt, %add3A_615, %get3A_618 : vector<512x128xf32>
    %mul3A_620 = arith.constant 32 : i32
    %mul3A_621 = arith.muli %arg1, %mul3A_620 : i32
    %add3A_622 = arith.constant 23 : i32
    %add3A_623 = arith.addi %mul3A_621, %add3A_622 : i32
    %get3A_624 = arith.constant 0 : index
    %get3A_625 = arith.constant 0 : index
    %get3A_626 = vector.load %arg8[%get3A_624, %get3A_625] : memref<512x128xi32, #tpu.memory_space<vmem>>, vector<512x128xi32>
    %broadcast_in_dim3A_627 = vector.broadcast %add3A_623 : i32 to vector<512x128xi32>
    %select_n3A_628 = arith.select %lt3A_619, %broadcast_in_dim3A_627, %get3A_626 : vector<512x128xi1>, vector<512x128xi32>
    %swap3A_629 = arith.constant 0 : index
    %swap3A_630 = arith.constant 0 : index
    %swap3A_631 = vector.load %arg8[%swap3A_629, %swap3A_630] : memref<512x128xi32, #tpu.memory_space<vmem>>, vector<512x128xi32>
    tpu.vector_store %arg8[%swap3A_629, %swap3A_630], %select_n3A_628 {strides = array<i32>} : memref<512x128xi32, #tpu.memory_space<vmem>>, vector<512x128xi32>,
    %select_n3A_632 = arith.select %lt3A_619, %add3A_615, %get3A_618 : vector<512x128xi1>, vector<512x128xf32>
    %swap3A_633 = arith.constant 0 : index
    %swap3A_634 = arith.constant 0 : index
    %swap3A_635 = vector.load %arg7[%swap3A_633, %swap3A_634] : memref<512x128xf32, #tpu.memory_space<vmem>>, vector<512x128xf32>
    tpu.vector_store %arg7[%swap3A_633, %swap3A_634], %select_n3A_632 {strides = array<i32>} : memref<512x128xf32, #tpu.memory_space<vmem>>, vector<512x128xf32>,
    %slice3A_636 = vector.extract_strided_slice %get3A_17 {offsets = [0, 3072], sizes = [1, 128], strides = [1, 1]} : vector<1x4096xf32> to vector<1x128xf32>
    %add3A_637 = vector.broadcast %get3A_14 : vector<512x1xf32> to vector<512x128xf32>
    %add3A_638 = vector.broadcast %slice3A_636 : vector<1x128xf32> to vector<512x128xf32>
    %add3A_639 = arith.addf %add3A_637, %add3A_638 : vector<512x128xf32>
    %slice3A_640 = vector.extract_strided_slice %dot_general3A_11 {offsets = [0, 3072], sizes = [512, 128], strides = [1, 1]} : vector<512x4096xf32> to vector<512x128xf32>
    %add3A_641 = arith.addf %add3A_639, %slice3A_640 : vector<512x128xf32>
    %get3A_642 = arith.constant 0 : index
    %get3A_643 = arith.constant 0 : index
    %get3A_644 = vector.load %arg7[%get3A_642, %get3A_643] : memref<512x128xf32, #tpu.memory_space<vmem>>, vector<512x128xf32>
    %lt3A_645 = arith.cmpf olt, %add3A_641, %get3A_644 : vector<512x128xf32>
    %mul3A_646 = arith.constant 32 : i32
    %mul3A_647 = arith.muli %arg1, %mul3A_646 : i32
    %add3A_648 = arith.constant 24 : i32
    %add3A_649 = arith.addi %mul3A_647, %add3A_648 : i32
    %get3A_650 = arith.constant 0 : index
    %get3A_651 = arith.constant 0 : index
    %get3A_652 = vector.load %arg8[%get3A_650, %get3A_651] : memref<512x128xi32, #tpu.memory_space<vmem>>, vector<512x128xi32>
    %broadcast_in_dim3A_653 = vector.broadcast %add3A_649 : i32 to vector<512x128xi32>
    %select_n3A_654 = arith.select %lt3A_645, %broadcast_in_dim3A_653, %get3A_652 : vector<512x128xi1>, vector<512x128xi32>
    %swap3A_655 = arith.constant 0 : index
    %swap3A_656 = arith.constant 0 : index
    %swap3A_657 = vector.load %arg8[%swap3A_655, %swap3A_656] : memref<512x128xi32, #tpu.memory_space<vmem>>, vector<512x128xi32>
    tpu.vector_store %arg8[%swap3A_655, %swap3A_656], %select_n3A_654 {strides = array<i32>} : memref<512x128xi32, #tpu.memory_space<vmem>>, vector<512x128xi32>,
    %select_n3A_658 = arith.select %lt3A_645, %add3A_641, %get3A_644 : vector<512x128xi1>, vector<512x128xf32>
    %swap3A_659 = arith.constant 0 : index
    %swap3A_660 = arith.constant 0 : index
    %swap3A_661 = vector.load %arg7[%swap3A_659, %swap3A_660] : memref<512x128xf32, #tpu.memory_space<vmem>>, vector<512x128xf32>
    tpu.vector_store %arg7[%swap3A_659, %swap3A_660], %select_n3A_658 {strides = array<i32>} : memref<512x128xf32, #tpu.memory_space<vmem>>, vector<512x128xf32>,
    %slice3A_662 = vector.extract_strided_slice %get3A_17 {offsets = [0, 3200], sizes = [1, 128], strides = [1, 1]} : vector<1x4096xf32> to vector<1x128xf32>
    %add3A_663 = vector.broadcast %get3A_14 : vector<512x1xf32> to vector<512x128xf32>
    %add3A_664 = vector.broadcast %slice3A_662 : vector<1x128xf32> to vector<512x128xf32>
    %add3A_665 = arith.addf %add3A_663, %add3A_664 : vector<512x128xf32>
    %slice3A_666 = vector.extract_strided_slice %dot_general3A_11 {offsets = [0, 3200], sizes = [512, 128], strides = [1, 1]} : vector<512x4096xf32> to vector<512x128xf32>
    %add3A_667 = arith.addf %add3A_665, %slice3A_666 : vector<512x128xf32>
    %get3A_668 = arith.constant 0 : index
    %get3A_669 = arith.constant 0 : index
    %get3A_670 = vector.load %arg7[%get3A_668, %get3A_669] : memref<512x128xf32, #tpu.memory_space<vmem>>, vector<512x128xf32>
    %lt3A_671 = arith.cmpf olt, %add3A_667, %get3A_670 : vector<512x128xf32>
    %mul3A_672 = arith.constant 32 : i32
    %mul3A_673 = arith.muli %arg1, %mul3A_672 : i32
    %add3A_674 = arith.constant 25 : i32
    %add3A_675 = arith.addi %mul3A_673, %add3A_674 : i32
    %get3A_676 = arith.constant 0 : index
    %get3A_677 = arith.constant 0 : index
    %get3A_678 = vector.load %arg8[%get3A_676, %get3A_677] : memref<512x128xi32, #tpu.memory_space<vmem>>, vector<512x128xi32>
    %broadcast_in_dim3A_679 = vector.broadcast %add3A_675 : i32 to vector<512x128xi32>
    %select_n3A_680 = arith.select %lt3A_671, %broadcast_in_dim3A_679, %get3A_678 : vector<512x128xi1>, vector<512x128xi32>
    %swap3A_681 = arith.constant 0 : index
    %swap3A_682 = arith.constant 0 : index
    %swap3A_683 = vector.load %arg8[%swap3A_681, %swap3A_682] : memref<512x128xi32, #tpu.memory_space<vmem>>, vector<512x128xi32>
    tpu.vector_store %arg8[%swap3A_681, %swap3A_682], %select_n3A_680 {strides = array<i32>} : memref<512x128xi32, #tpu.memory_space<vmem>>, vector<512x128xi32>,
    %select_n3A_684 = arith.select %lt3A_671, %add3A_667, %get3A_670 : vector<512x128xi1>, vector<512x128xf32>
    %swap3A_685 = arith.constant 0 : index
    %swap3A_686 = arith.constant 0 : index
    %swap3A_687 = vector.load %arg7[%swap3A_685, %swap3A_686] : memref<512x128xf32, #tpu.memory_space<vmem>>, vector<512x128xf32>
    tpu.vector_store %arg7[%swap3A_685, %swap3A_686], %select_n3A_684 {strides = array<i32>} : memref<512x128xf32, #tpu.memory_space<vmem>>, vector<512x128xf32>,
    %slice3A_688 = vector.extract_strided_slice %get3A_17 {offsets = [0, 3328], sizes = [1, 128], strides = [1, 1]} : vector<1x4096xf32> to vector<1x128xf32>
    %add3A_689 = vector.broadcast %get3A_14 : vector<512x1xf32> to vector<512x128xf32>
    %add3A_690 = vector.broadcast %slice3A_688 : vector<1x128xf32> to vector<512x128xf32>
    %add3A_691 = arith.addf %add3A_689, %add3A_690 : vector<512x128xf32>
    %slice3A_692 = vector.extract_strided_slice %dot_general3A_11 {offsets = [0, 3328], sizes = [512, 128], strides = [1, 1]} : vector<512x4096xf32> to vector<512x128xf32>
    %add3A_693 = arith.addf %add3A_691, %slice3A_692 : vector<512x128xf32>
    %get3A_694 = arith.constant 0 : index
    %get3A_695 = arith.constant 0 : index
    %get3A_696 = vector.load %arg7[%get3A_694, %get3A_695] : memref<512x128xf32, #tpu.memory_space<vmem>>, vector<512x128xf32>
    %lt3A_697 = arith.cmpf olt, %add3A_693, %get3A_696 : vector<512x128xf32>
    %mul3A_698 = arith.constant 32 : i32
    %mul3A_699 = arith.muli %arg1, %mul3A_698 : i32
    %add3A_700 = arith.constant 26 : i32
    %add3A_701 = arith.addi %mul3A_699, %add3A_700 : i32
    %get3A_702 = arith.constant 0 : index
    %get3A_703 = arith.constant 0 : index
    %get3A_704 = vector.load %arg8[%get3A_702, %get3A_703] : memref<512x128xi32, #tpu.memory_space<vmem>>, vector<512x128xi32>
    %broadcast_in_dim3A_705 = vector.broadcast %add3A_701 : i32 to vector<512x128xi32>
    %select_n3A_706 = arith.select %lt3A_697, %broadcast_in_dim3A_705, %get3A_704 : vector<512x128xi1>, vector<512x128xi32>
    %swap3A_707 = arith.constant 0 : index
    %swap3A_708 = arith.constant 0 : index
    %swap3A_709 = vector.load %arg8[%swap3A_707, %swap3A_708] : memref<512x128xi32, #tpu.memory_space<vmem>>, vector<512x128xi32>
    tpu.vector_store %arg8[%swap3A_707, %swap3A_708], %select_n3A_706 {strides = array<i32>} : memref<512x128xi32, #tpu.memory_space<vmem>>, vector<512x128xi32>,
    %select_n3A_710 = arith.select %lt3A_697, %add3A_693, %get3A_696 : vector<512x128xi1>, vector<512x128xf32>
    %swap3A_711 = arith.constant 0 : index
    %swap3A_712 = arith.constant 0 : index
    %swap3A_713 = vector.load %arg7[%swap3A_711, %swap3A_712] : memref<512x128xf32, #tpu.memory_space<vmem>>, vector<512x128xf32>
    tpu.vector_store %arg7[%swap3A_711, %swap3A_712], %select_n3A_710 {strides = array<i32>} : memref<512x128xf32, #tpu.memory_space<vmem>>, vector<512x128xf32>,
    %slice3A_714 = vector.extract_strided_slice %get3A_17 {offsets = [0, 3456], sizes = [1, 128], strides = [1, 1]} : vector<1x4096xf32> to vector<1x128xf32>
    %add3A_715 = vector.broadcast %get3A_14 : vector<512x1xf32> to vector<512x128xf32>
    %add3A_716 = vector.broadcast %slice3A_714 : vector<1x128xf32> to vector<512x128xf32>
    %add3A_717 = arith.addf %add3A_715, %add3A_716 : vector<512x128xf32>
    %slice3A_718 = vector.extract_strided_slice %dot_general3A_11 {offsets = [0, 3456], sizes = [512, 128], strides = [1, 1]} : vector<512x4096xf32> to vector<512x128xf32>
    %add3A_719 = arith.addf %add3A_717, %slice3A_718 : vector<512x128xf32>
    %get3A_720 = arith.constant 0 : index
    %get3A_721 = arith.constant 0 : index
    %get3A_722 = vector.load %arg7[%get3A_720, %get3A_721] : memref<512x128xf32, #tpu.memory_space<vmem>>, vector<512x128xf32>
    %lt3A_723 = arith.cmpf olt, %add3A_719, %get3A_722 : vector<512x128xf32>
    %mul3A_724 = arith.constant 32 : i32
    %mul3A_725 = arith.muli %arg1, %mul3A_724 : i32
    %add3A_726 = arith.constant 27 : i32
    %add3A_727 = arith.addi %mul3A_725, %add3A_726 : i32
    %get3A_728 = arith.constant 0 : index
    %get3A_729 = arith.constant 0 : index
    %get3A_730 = vector.load %arg8[%get3A_728, %get3A_729] : memref<512x128xi32, #tpu.memory_space<vmem>>, vector<512x128xi32>
    %broadcast_in_dim3A_731 = vector.broadcast %add3A_727 : i32 to vector<512x128xi32>
    %select_n3A_732 = arith.select %lt3A_723, %broadcast_in_dim3A_731, %get3A_730 : vector<512x128xi1>, vector<512x128xi32>
    %swap3A_733 = arith.constant 0 : index
    %swap3A_734 = arith.constant 0 : index
    %swap3A_735 = vector.load %arg8[%swap3A_733, %swap3A_734] : memref<512x128xi32, #tpu.memory_space<vmem>>, vector<512x128xi32>
    tpu.vector_store %arg8[%swap3A_733, %swap3A_734], %select_n3A_732 {strides = array<i32>} : memref<512x128xi32, #tpu.memory_space<vmem>>, vector<512x128xi32>,
    %select_n3A_736 = arith.select %lt3A_723, %add3A_719, %get3A_722 : vector<512x128xi1>, vector<512x128xf32>
    %swap3A_737 = arith.constant 0 : index
    %swap3A_738 = arith.constant 0 : index
    %swap3A_739 = vector.load %arg7[%swap3A_737, %swap3A_738] : memref<512x128xf32, #tpu.memory_space<vmem>>, vector<512x128xf32>
    tpu.vector_store %arg7[%swap3A_737, %swap3A_738], %select_n3A_736 {strides = array<i32>} : memref<512x128xf32, #tpu.memory_space<vmem>>, vector<512x128xf32>,
    %slice3A_740 = vector.extract_strided_slice %get3A_17 {offsets = [0, 3584], sizes = [1, 128], strides = [1, 1]} : vector<1x4096xf32> to vector<1x128xf32>
    %add3A_741 = vector.broadcast %get3A_14 : vector<512x1xf32> to vector<512x128xf32>
    %add3A_742 = vector.broadcast %slice3A_740 : vector<1x128xf32> to vector<512x128xf32>
    %add3A_743 = arith.addf %add3A_741, %add3A_742 : vector<512x128xf32>
    %slice3A_744 = vector.extract_strided_slice %dot_general3A_11 {offsets = [0, 3584], sizes = [512, 128], strides = [1, 1]} : vector<512x4096xf32> to vector<512x128xf32>
    %add3A_745 = arith.addf %add3A_743, %slice3A_744 : vector<512x128xf32>
    %get3A_746 = arith.constant 0 : index
    %get3A_747 = arith.constant 0 : index
    %get3A_748 = vector.load %arg7[%get3A_746, %get3A_747] : memref<512x128xf32, #tpu.memory_space<vmem>>, vector<512x128xf32>
    %lt3A_749 = arith.cmpf olt, %add3A_745, %get3A_748 : vector<512x128xf32>
    %mul3A_750 = arith.constant 32 : i32
    %mul3A_751 = arith.muli %arg1, %mul3A_750 : i32
    %add3A_752 = arith.constant 28 : i32
    %add3A_753 = arith.addi %mul3A_751, %add3A_752 : i32
    %get3A_754 = arith.constant 0 : index
    %get3A_755 = arith.constant 0 : index
    %get3A_756 = vector.load %arg8[%get3A_754, %get3A_755] : memref<512x128xi32, #tpu.memory_space<vmem>>, vector<512x128xi32>
    %broadcast_in_dim3A_757 = vector.broadcast %add3A_753 : i32 to vector<512x128xi32>
    %select_n3A_758 = arith.select %lt3A_749, %broadcast_in_dim3A_757, %get3A_756 : vector<512x128xi1>, vector<512x128xi32>
    %swap3A_759 = arith.constant 0 : index
    %swap3A_760 = arith.constant 0 : index
    %swap3A_761 = vector.load %arg8[%swap3A_759, %swap3A_760] : memref<512x128xi32, #tpu.memory_space<vmem>>, vector<512x128xi32>
    tpu.vector_store %arg8[%swap3A_759, %swap3A_760], %select_n3A_758 {strides = array<i32>} : memref<512x128xi32, #tpu.memory_space<vmem>>, vector<512x128xi32>,
    %select_n3A_762 = arith.select %lt3A_749, %add3A_745, %get3A_748 : vector<512x128xi1>, vector<512x128xf32>
    %swap3A_763 = arith.constant 0 : index
    %swap3A_764 = arith.constant 0 : index
    %swap3A_765 = vector.load %arg7[%swap3A_763, %swap3A_764] : memref<512x128xf32, #tpu.memory_space<vmem>>, vector<512x128xf32>
    tpu.vector_store %arg7[%swap3A_763, %swap3A_764], %select_n3A_762 {strides = array<i32>} : memref<512x128xf32, #tpu.memory_space<vmem>>, vector<512x128xf32>,
    %slice3A_766 = vector.extract_strided_slice %get3A_17 {offsets = [0, 3712], sizes = [1, 128], strides = [1, 1]} : vector<1x4096xf32> to vector<1x128xf32>
    %add3A_767 = vector.broadcast %get3A_14 : vector<512x1xf32> to vector<512x128xf32>
    %add3A_768 = vector.broadcast %slice3A_766 : vector<1x128xf32> to vector<512x128xf32>
    %add3A_769 = arith.addf %add3A_767, %add3A_768 : vector<512x128xf32>
    %slice3A_770 = vector.extract_strided_slice %dot_general3A_11 {offsets = [0, 3712], sizes = [512, 128], strides = [1, 1]} : vector<512x4096xf32> to vector<512x128xf32>
    %add3A_771 = arith.addf %add3A_769, %slice3A_770 : vector<512x128xf32>
    %get3A_772 = arith.constant 0 : index
    %get3A_773 = arith.constant 0 : index
    %get3A_774 = vector.load %arg7[%get3A_772, %get3A_773] : memref<512x128xf32, #tpu.memory_space<vmem>>, vector<512x128xf32>
    %lt3A_775 = arith.cmpf olt, %add3A_771, %get3A_774 : vector<512x128xf32>
    %mul3A_776 = arith.constant 32 : i32
    %mul3A_777 = arith.muli %arg1, %mul3A_776 : i32
    %add3A_778 = arith.constant 29 : i32
    %add3A_779 = arith.addi %mul3A_777, %add3A_778 : i32
    %get3A_780 = arith.constant 0 : index
    %get3A_781 = arith.constant 0 : index
    %get3A_782 = vector.load %arg8[%get3A_780, %get3A_781] : memref<512x128xi32, #tpu.memory_space<vmem>>, vector<512x128xi32>
    %broadcast_in_dim3A_783 = vector.broadcast %add3A_779 : i32 to vector<512x128xi32>
    %select_n3A_784 = arith.select %lt3A_775, %broadcast_in_dim3A_783, %get3A_782 : vector<512x128xi1>, vector<512x128xi32>
    %swap3A_785 = arith.constant 0 : index
    %swap3A_786 = arith.constant 0 : index
    %swap3A_787 = vector.load %arg8[%swap3A_785, %swap3A_786] : memref<512x128xi32, #tpu.memory_space<vmem>>, vector<512x128xi32>
    tpu.vector_store %arg8[%swap3A_785, %swap3A_786], %select_n3A_784 {strides = array<i32>} : memref<512x128xi32, #tpu.memory_space<vmem>>, vector<512x128xi32>,
    %select_n3A_788 = arith.select %lt3A_775, %add3A_771, %get3A_774 : vector<512x128xi1>, vector<512x128xf32>
    %swap3A_789 = arith.constant 0 : index
    %swap3A_790 = arith.constant 0 : index
    %swap3A_791 = vector.load %arg7[%swap3A_789, %swap3A_790] : memref<512x128xf32, #tpu.memory_space<vmem>>, vector<512x128xf32>
    tpu.vector_store %arg7[%swap3A_789, %swap3A_790], %select_n3A_788 {strides = array<i32>} : memref<512x128xf32, #tpu.memory_space<vmem>>, vector<512x128xf32>,
    %slice3A_792 = vector.extract_strided_slice %get3A_17 {offsets = [0, 3840], sizes = [1, 128], strides = [1, 1]} : vector<1x4096xf32> to vector<1x128xf32>
    %add3A_793 = vector.broadcast %get3A_14 : vector<512x1xf32> to vector<512x128xf32>
    %add3A_794 = vector.broadcast %slice3A_792 : vector<1x128xf32> to vector<512x128xf32>
    %add3A_795 = arith.addf %add3A_793, %add3A_794 : vector<512x128xf32>
    %slice3A_796 = vector.extract_strided_slice %dot_general3A_11 {offsets = [0, 3840], sizes = [512, 128], strides = [1, 1]} : vector<512x4096xf32> to vector<512x128xf32>
    %add3A_797 = arith.addf %add3A_795, %slice3A_796 : vector<512x128xf32>
    %get3A_798 = arith.constant 0 : index
    %get3A_799 = arith.constant 0 : index
    %get3A_800 = vector.load %arg7[%get3A_798, %get3A_799] : memref<512x128xf32, #tpu.memory_space<vmem>>, vector<512x128xf32>
    %lt3A_801 = arith.cmpf olt, %add3A_797, %get3A_800 : vector<512x128xf32>
    %mul3A_802 = arith.constant 32 : i32
    %mul3A_803 = arith.muli %arg1, %mul3A_802 : i32
    %add3A_804 = arith.constant 30 : i32
    %add3A_805 = arith.addi %mul3A_803, %add3A_804 : i32
    %get3A_806 = arith.constant 0 : index
    %get3A_807 = arith.constant 0 : index
    %get3A_808 = vector.load %arg8[%get3A_806, %get3A_807] : memref<512x128xi32, #tpu.memory_space<vmem>>, vector<512x128xi32>
    %broadcast_in_dim3A_809 = vector.broadcast %add3A_805 : i32 to vector<512x128xi32>
    %select_n3A_810 = arith.select %lt3A_801, %broadcast_in_dim3A_809, %get3A_808 : vector<512x128xi1>, vector<512x128xi32>
    %swap3A_811 = arith.constant 0 : index
    %swap3A_812 = arith.constant 0 : index
    %swap3A_813 = vector.load %arg8[%swap3A_811, %swap3A_812] : memref<512x128xi32, #tpu.memory_space<vmem>>, vector<512x128xi32>
    tpu.vector_store %arg8[%swap3A_811, %swap3A_812], %select_n3A_810 {strides = array<i32>} : memref<512x128xi32, #tpu.memory_space<vmem>>, vector<512x128xi32>,
    %select_n3A_814 = arith.select %lt3A_801, %add3A_797, %get3A_800 : vector<512x128xi1>, vector<512x128xf32>
    %swap3A_815 = arith.constant 0 : index
    %swap3A_816 = arith.constant 0 : index
    %swap3A_817 = vector.load %arg7[%swap3A_815, %swap3A_816] : memref<512x128xf32, #tpu.memory_space<vmem>>, vector<512x128xf32>
    tpu.vector_store %arg7[%swap3A_815, %swap3A_816], %select_n3A_814 {strides = array<i32>} : memref<512x128xf32, #tpu.memory_space<vmem>>, vector<512x128xf32>,
    %slice3A_818 = vector.extract_strided_slice %get3A_17 {offsets = [0, 3968], sizes = [1, 128], strides = [1, 1]} : vector<1x4096xf32> to vector<1x128xf32>
    %add3A_819 = vector.broadcast %get3A_14 : vector<512x1xf32> to vector<512x128xf32>
    %add3A_820 = vector.broadcast %slice3A_818 : vector<1x128xf32> to vector<512x128xf32>
    %add3A_821 = arith.addf %add3A_819, %add3A_820 : vector<512x128xf32>
    %slice3A_822 = vector.extract_strided_slice %dot_general3A_11 {offsets = [0, 3968], sizes = [512, 128], strides = [1, 1]} : vector<512x4096xf32> to vector<512x128xf32>
    %add3A_823 = arith.addf %add3A_821, %slice3A_822 : vector<512x128xf32>
    %get3A_824 = arith.constant 0 : index
    %get3A_825 = arith.constant 0 : index
    %get3A_826 = vector.load %arg7[%get3A_824, %get3A_825] : memref<512x128xf32, #tpu.memory_space<vmem>>, vector<512x128xf32>
    %lt3A_827 = arith.cmpf olt, %add3A_823, %get3A_826 : vector<512x128xf32>
    %mul3A_828 = arith.constant 32 : i32
    %mul3A_829 = arith.muli %arg1, %mul3A_828 : i32
    %add3A_830 = arith.constant 31 : i32
    %add3A_831 = arith.addi %mul3A_829, %add3A_830 : i32
    %get3A_832 = arith.constant 0 : index
    %get3A_833 = arith.constant 0 : index
    %get3A_834 = vector.load %arg8[%get3A_832, %get3A_833] : memref<512x128xi32, #tpu.memory_space<vmem>>, vector<512x128xi32>
    %broadcast_in_dim3A_835 = vector.broadcast %add3A_831 : i32 to vector<512x128xi32>
    %select_n3A_836 = arith.select %lt3A_827, %broadcast_in_dim3A_835, %get3A_834 : vector<512x128xi1>, vector<512x128xi32>
    %swap3A_837 = arith.constant 0 : index
    %swap3A_838 = arith.constant 0 : index
    %swap3A_839 = vector.load %arg8[%swap3A_837, %swap3A_838] : memref<512x128xi32, #tpu.memory_space<vmem>>, vector<512x128xi32>
    tpu.vector_store %arg8[%swap3A_837, %swap3A_838], %select_n3A_836 {strides = array<i32>} : memref<512x128xi32, #tpu.memory_space<vmem>>, vector<512x128xi32>,
    %select_n3A_840 = arith.select %lt3A_827, %add3A_823, %get3A_826 : vector<512x128xi1>, vector<512x128xf32>
    %swap3A_841 = arith.constant 0 : index
    %swap3A_842 = arith.constant 0 : index
    %swap3A_843 = vector.load %arg7[%swap3A_841, %swap3A_842] : memref<512x128xf32, #tpu.memory_space<vmem>>, vector<512x128xf32>
    tpu.vector_store %arg7[%swap3A_841, %swap3A_842], %select_n3A_840 {strides = array<i32>} : memref<512x128xf32, #tpu.memory_space<vmem>>, vector<512x128xf32>,
    %eq3A_844 = arith.constant 0 : i32
    %eq3A_845 = arith.cmpi eq, %arg1, %eq3A_844 : i32
    %convert_element_type3A_846 = arith.extui %eq3A_845 : i1 to i32
    %cond3A_847 = arith.constant 0 : i32
    %cond3A_848 = arith.cmpi ne, %convert_element_type3A_846, %cond3A_847 : i32
    scf.if %cond3A_848 {
      %get3A_854 = arith.constant 0 : index
      %get3A_855 = arith.constant 0 : index
      %get3A_856 = vector.load %arg7[%get3A_854, %get3A_855] : memref<512x128xf32, #tpu.memory_space<vmem>>, vector<512x128xf32>
      %max3A = arith.constant 0.000000e+00 : f32
      %max3A_857 = vector.broadcast %max3A : f32 to vector<512x128xf32>
      %max3A_858 = arith.maximumf %get3A_856, %max3A_857 : vector<512x128xf32>
      %sqrt3A = math.sqrt %max3A_858 : vector<512x128xf32>
      %get3A_859 = arith.constant 0 : index
      %get3A_860 = arith.constant 0 : index
      %get3A_861 = vector.load %arg8[%get3A_859, %get3A_860] : memref<512x128xi32, #tpu.memory_space<vmem>>, vector<512x128xi32>
      %reduce_min3A = arith.constant dense<0x7F800000> : vector<512xf32>
      %reduce_min3A_862 = vector.multi_reduction <minimumf>, %sqrt3A, %reduce_min3A [1] : vector<512x128xf32> to vector<512xf32>
      %broadcast_in_dim3A_863 = vector.shape_cast %reduce_min3A_862 : vector<512xf32> to vector<512x1xf32>
      %iota3A = tpu.iota {dimensions = array<i32: 1>} : vector<512x128xi32>
      %mul3A_864 = arith.constant 128 : i32
      %mul3A_865 = vector.broadcast %mul3A_864 : i32 to vector<512x128xi32>
      %mul3A_866 = arith.muli %get3A_861, %mul3A_865 : vector<512x128xi32>
      %add3A_867 = arith.addi %mul3A_866, %iota3A : vector<512x128xi32>
      %eq3A_868 = vector.broadcast %broadcast_in_dim3A_863 : vector<512x1xf32> to vector<512x128xf32>
      %eq3A_869 = arith.cmpf oeq, %sqrt3A, %eq3A_868 : vector<512x128xf32>
      %jit3A = arith.constant 1073741824 : i32
      %broadcast_in_dim3A_870 = vector.broadcast %jit3A : i32 to vector<512x128xi32>
      %select_n3A_871 = arith.select %eq3A_869, %add3A_867, %broadcast_in_dim3A_870 : vector<512x128xi1>, vector<512x128xi32>
      %reduce_min3A_872 = arith.constant dense<2147483647> : vector<512xi32>
      %reduce_min3A_873 = vector.multi_reduction <minsi>, %select_n3A_871, %reduce_min3A_872 [1] : vector<512x128xi32> to vector<512xi32>
      %broadcast_in_dim3A_874 = vector.shape_cast %reduce_min3A_873 : vector<512xi32> to vector<512x1xi32>
      %convert_element_type3A_875 = arith.truncf %broadcast_in_dim3A_863 : vector<512x1xf32> to vector<512x1xbf16>
      %convert_element_type3A_876 = arith.extf %convert_element_type3A_875 : vector<512x1xbf16> to vector<512x1xf32>
      %swap3A_877 = arith.constant 0 : index
      %swap3A_878 = arith.constant 0 : index
      %swap3A_879 = vector.load %arg9[%swap3A_877, %swap3A_878] : memref<512x1xf32, #tpu.memory_space<vmem>>, vector<512x1xf32>
      tpu.vector_store %arg9[%swap3A_877, %swap3A_878], %convert_element_type3A_876 {strides = array<i32>} : memref<512x1xf32, #tpu.memory_space<vmem>>, vector<512x1xf32>,
      %swap3A_880 = arith.constant 0 : index
      %swap3A_881 = arith.constant 0 : index
      %swap3A_882 = vector.load %arg10[%swap3A_880, %swap3A_881] : memref<512x1xi32, #tpu.memory_space<vmem>>, vector<512x1xi32>
      tpu.vector_store %arg10[%swap3A_880, %swap3A_881], %broadcast_in_dim3A_874 {strides = array<i32>} : memref<512x1xi32, #tpu.memory_space<vmem>>, vector<512x1xi32>,
    } else {
    }
    %eq3A_849 = arith.constant 1 : i32
    %eq3A_850 = arith.cmpi eq, %arg1, %eq3A_849 : i32
    %convert_element_type3A_851 = arith.extui %eq3A_850 : i1 to i32
    %cond3A_852 = arith.constant 0 : i32
    %cond3A_853 = arith.cmpi ne, %convert_element_type3A_851, %cond3A_852 : i32
    scf.if %cond3A_853 {
      %get3A_854 = arith.constant 0 : index
      %get3A_855 = arith.constant 0 : index
      %get3A_856 = vector.load %arg7[%get3A_854, %get3A_855] : memref<512x128xf32, #tpu.memory_space<vmem>>, vector<512x128xf32>
      %max3A = arith.constant 0.000000e+00 : f32
      %max3A_857 = vector.broadcast %max3A : f32 to vector<512x128xf32>
      %max3A_858 = arith.maximumf %get3A_856, %max3A_857 : vector<512x128xf32>
      %sqrt3A = math.sqrt %max3A_858 : vector<512x128xf32>
      %get3A_859 = arith.constant 0 : index
      %get3A_860 = arith.constant 0 : index
      %get3A_861 = vector.load %arg8[%get3A_859, %get3A_860] : memref<512x128xi32, #tpu.memory_space<vmem>>, vector<512x128xi32>
      %reduce_min3A = arith.constant dense<0x7F800000> : vector<512xf32>
      %reduce_min3A_862 = vector.multi_reduction <minimumf>, %sqrt3A, %reduce_min3A [1] : vector<512x128xf32> to vector<512xf32>
      %broadcast_in_dim3A_863 = vector.shape_cast %reduce_min3A_862 : vector<512xf32> to vector<512x1xf32>
      %iota3A = tpu.iota {dimensions = array<i32: 1>} : vector<512x128xi32>
      %mul3A_864 = arith.constant 128 : i32
      %mul3A_865 = vector.broadcast %mul3A_864 : i32 to vector<512x128xi32>
      %mul3A_866 = arith.muli %get3A_861, %mul3A_865 : vector<512x128xi32>
      %add3A_867 = arith.addi %mul3A_866, %iota3A : vector<512x128xi32>
      %eq3A_868 = vector.broadcast %broadcast_in_dim3A_863 : vector<512x1xf32> to vector<512x128xf32>
      %eq3A_869 = arith.cmpf oeq, %sqrt3A, %eq3A_868 : vector<512x128xf32>
      %jit3A = arith.constant 1073741824 : i32
      %broadcast_in_dim3A_870 = vector.broadcast %jit3A : i32 to vector<512x128xi32>
      %select_n3A_871 = arith.select %eq3A_869, %add3A_867, %broadcast_in_dim3A_870 : vector<512x128xi1>, vector<512x128xi32>
      %reduce_min3A_872 = arith.constant dense<2147483647> : vector<512xi32>
      %reduce_min3A_873 = vector.multi_reduction <minsi>, %select_n3A_871, %reduce_min3A_872 [1] : vector<512x128xi32> to vector<512xi32>
      %broadcast_in_dim3A_874 = vector.shape_cast %reduce_min3A_873 : vector<512xi32> to vector<512x1xi32>
      %get3A_875 = arith.constant 0 : index
      %get3A_876 = arith.constant 0 : index
      %get3A_877 = vector.load %arg9[%get3A_875, %get3A_876] : memref<512x1xf32, #tpu.memory_space<vmem>>, vector<512x1xf32>
      %get3A_878 = arith.constant 0 : index
      %get3A_879 = arith.constant 0 : index
      %get3A_880 = vector.load %arg10[%get3A_878, %get3A_879] : memref<512x1xi32, #tpu.memory_space<vmem>>, vector<512x1xi32>
      %lt3A_881 = arith.cmpf olt, %broadcast_in_dim3A_863, %get3A_877 : vector<512x1xf32>
      %eq3A_882 = arith.cmpf oeq, %broadcast_in_dim3A_863, %get3A_877 : vector<512x1xf32>
      %lt3A_883 = arith.cmpi slt, %broadcast_in_dim3A_874, %get3A_880 : vector<512x1xi32>
      %and3A = arith.andi %eq3A_882, %lt3A_883 : vector<512x1xi1>
      %or3A_884 = arith.ori %lt3A_881, %and3A : vector<512x1xi1>
      %select_n3A_885 = arith.select %or3A_884, %broadcast_in_dim3A_874, %get3A_880 : vector<512x1xi1>, vector<512x1xi32>
      %swap3A_886 = arith.constant 0 : index
      %swap3A_887 = arith.constant 0 : index
      %swap3A_888 = vector.load %arg6[%swap3A_886, %swap3A_887] : memref<512x1xi32, #tpu.memory_space<vmem>>, vector<512x1xi32>
      tpu.vector_store %arg6[%swap3A_886, %swap3A_887], %select_n3A_885 {strides = array<i32>} : memref<512x1xi32, #tpu.memory_space<vmem>>, vector<512x1xi32>,
    } else {
    }
    return
  }
  func.func @transform_0(%arg0: i32, %arg1: i32) -> (i32, i32) {
    %c0_i32 = arith.constant 0 : i32
    %c0_i32_0 = arith.constant 0 : i32
    return %arg0, %c0_i32 : i32, i32
  }
  func.func @transform_1(%arg0: i32, %arg1: i32) -> (i32, i32) {
    %c0_i32 = arith.constant 0 : i32
    %c0_i32_0 = arith.constant 0 : i32
    return %arg1, %c0_i32 : i32, i32
  }
  func.func @transform_2(%arg0: i32, %arg1: i32) -> (i32, i32) {
    %c0_i32 = arith.constant 0 : i32
    %c0_i32_0 = arith.constant 0 : i32
    return %arg0, %c0_i32 : i32, i32
  }
  func.func @transform_3(%arg0: i32, %arg1: i32) -> (i32, i32) {
    %c0_i32 = arith.constant 0 : i32
    %c0_i32_0 = arith.constant 0 : i32
    return %c0_i32, %arg1 : i32, i32
  }
  func.func @transform_4(%arg0: i32, %arg1: i32) -> (i32, i32) {
    %c0_i32 = arith.constant 0 : i32
    %c0_i32_0 = arith.constant 0 : i32
    return %arg0, %c0_i32 : i32, i32
  }
}

</mosaic_0001>

<sc_bundles>
// kernel: kernel.4.cloned.1.call-start
scs
__scs_entry_jumppad:
0x0: {  	(pc) =	sbr.rel $0x88, $3  }
0x1: {  	(tag) =	ssettag $0x0;
	lr =	simm.s32 $0x1  }
0x2: {  	[smem:$0x3F9F] =	sst lr;
	_ =	strace $0xD0000000  }
0x3: {  	_ = 	snop  }
0x4: {  	_ = 	snop  }
0x5: {  	_ = 	snop  }
0x6: {  	_ = 	snop  }
0x7: {  	_ = 	snop  }
__scs_overlays_trampoline_lowered:
0x8: {  	[smem:$0x3FAE] =	sst s0  }
0x9: {  	[smem:$0x3FAF] =	sst s1  }
0xa: {  	[smem:$0x3FB0] =	sst s2  }
0xb: {  	[smem:$0x3FB1] =	sst s3  }
0xc: {  	[smem:$0x3FB2] =	sst s4  }
0xd: {  	[smem:$0x3FB3] =	sst s5  }
0xe: {  	[smem:$0x3FB4] =	sst s6  }
0xf: {  	[smem:$0x3FB5] =	sst s7  }
0x10: {  	[smem:$0x3FB6] =	sst s8  }
0x11: {  	[smem:$0x3FB7] =	sst s9;
	s0 =	simm.s32 @!p0 $0x0  }
0x12: {  	s1 =	sld [smem:$0x3F9D];
	s0 =	simm.s32 @p0 $0x1  }
0x13: {  	[smem:$0x3FB8] =	sst s0;
	s0 =	simm.s32 @!p1 $0x0  }
0x14: {  	s2 =	sld [smem:$0x3F9C];
	s0 =	simm.s32 @p1 $0x1  }
0x15: {  	[smem:$0x3FB9] =	sst s0;
	s0 =	simm.s32 @!p2 $0x0  }
0x16: {  	s3 =	sld [smem:$0x3FDB];
	s0 =	simm.s32 @p2 $0x1  }
0x17: {  	s4 =	simm.s32 $0x1BF5;
	[smem:$0x3FBB] =	sst s0  }
0x18: {  	s0 =	sld [smem:$0x3F9E];
	_ =	swait.ge [sflag:s4], $0x0  }
0x19: {  	s7 =	sld [smem:$0x3F9F]  }
0x1a: {  	s8 =	sadd.s32 $0xFFFFE003, lr  }
0x1b: {  	s9 =	sadd.s32 $0xFFFFFEF7, lr;
	s5 =	simm.s32 $0xFFFFFFFF;
	p2 =	slt.u32 s8, $0xFFFFF086  }
0x1c: {  	p1 =	slt.u32 s9, $0xF7A;
	s5 =	simm.s32 @!p2 $0x0  }
0x1d: {  	s5 =	simm.s32 @p1 $0x1;
	p0 =	seq.s32 s7, s2  }
0x1e: {  	s7 =	smul.u32 @!p0 $0xF7A, s2;
	p2 =	seq.s32 @!p0 s5, $0x0  }
0x1f: {  	s9 =	smul.u32 $0xF7A, s1;
	s8 =	simm.s32 @!p0 $0x1BF5;
	p2 =	por !p2, p0  }
0x20: {  	[sflag:s8] =	ssyncset.s32 @!p0 $0xFFFFF086;
	s6 =	sadd.s32 @!p0 s3, s7;
	s7 =	simm.s32 @!p0 $0x108  }
0x21: {  	s3 =	sadd.s32 s3, s9;
	s6 =	sadd.s32 @!p0 $0x88, s6;
	s7 =	simm.s32 @p2 $0x1082  }
0x22: {  	[simem:s7], [sflag:s8] =	dma.local @!p0 [hbm:s6], $0xF7A  }
0x23: {  	s9 =	sor.u32 $0xD0000000, s2;
	s6 =	simm.s32 $0x108;
	_ =	swait.ge @!p0 [sflag:s8], $0x0  }
0x24: {  	s3 =	sadd.s32 $0x88, s3;
	s6 =	simm.s32 @!p1 $0x1082;
	[sflag:s4] =	ssyncset.s32 $0xFFFFF086  }
0x25: {  	[simem:s6], [sflag:s4] =	dma.local [hbm:s3], $0xF7A  }
0x26: {  	[smem:$0x3F9F] =	sst s1;
	(tag) =	ssettag s2;
	_ =	strace s9  }
0x27: {  	s1 =	sld [smem:$0x3FAF]  }
0x28: {  	s2 =	sld [smem:$0x3FB0]  }
0x29: {  	s4 =	sld [smem:$0x3FB2]  }
0x2a: {  	p0 =	seq.s32 s5, $0x0;
	s5 =	sld [smem:$0x3FB3]  }
0x2b: {  	s6 =	sld [smem:$0x3FB4]  }
0x2c: {  	s7 =	sld [smem:$0x3FB5]  }
0x2d: {  	s3 =	simm.s32 $0x108;
	s8 =	sld [smem:$0x3FB6]  }
0x2e: {  	s3 =	simm.s32 @!p0 $0x1082;
	s9 =	sld [smem:$0x3FB7]  }
0x2f: {  	lr =	sadd.s32 s0, s3;
	s0 =	sld [smem:$0x3FAE]  }
0x30: {  	s3 =	sld [smem:$0x3FB1]  }
0x31: {  	[smem:$0x3FBA] =	sst s10  }
0x32: {  	s10 =	sld [smem:$0x3FB8];
	_ =	sdelay $0x3  }
0x33: {  	p0 =	seq.s32 s10, $0x1;
	s10 =	sld [smem:$0x3FBA];
	_ =	sdelay $0x3  }
0x34: {  	[smem:$0x3FBA] =	sst s10  }
0x35: {  	s10 =	sld [smem:$0x3FB9];
	_ =	sdelay $0x3  }
0x36: {  	p1 =	seq.s32 s10, $0x1;
	s10 =	sld [smem:$0x3FBA];
	_ =	sdelay $0x3  }
0x37: {  	[smem:$0x3FBA] =	sst s10  }
0x38: {  	s10 =	sld [smem:$0x3FBB]  }
0x39: {  	_ = 	snop;
	(pc) =	sbr.ind lr, $3  }
0x3a: {  	_ = 	snop  }
0x3b: {  	_ = 	snop  }
0x3c: {  	p2 =	seq.s32 s10, $0x1;
	s10 =	sld [smem:$0x3FBA]  }
0x3d: {  	_ =	shalt  }
0x3e: {  	_ =	shalt  }
0x3f: {  	_ =	shalt  }
0x40: {  	_ =	shalt  }
0x41: {  	_ =	shalt  }
0x42: {  	_ =	shalt  }
0x43: {  	_ =	shalt  }
0x44: {  	_ =	shalt  }
0x45: {  	_ =	shalt  }
0x46: {  	_ =	shalt  }
0x47: {  	_ =	shalt  }
0x48: {  	_ =	shalt  }
0x49: {  	_ =	shalt  }
0x4a: {  	_ =	shalt  }
0x4b: {  	_ =	shalt  }
0x4c: {  	_ =	shalt  }
0x4d: {  	_ =	shalt  }
0x4e: {  	_ =	shalt  }
0x4f: {  	_ =	shalt  }
0x50: {  	_ =	shalt  }
0x51: {  	_ =	shalt  }
0x52: {  	_ =	shalt  }
0x53: {  	_ =	shalt  }
0x54: {  	_ =	shalt  }
0x55: {  	_ =	shalt  }
0x56: {  	_ =	shalt  }
0x57: {  	_ =	shalt  }
0x58: {  	_ =	shalt  }
0x59: {  	_ =	shalt  }
0x5a: {  	_ =	shalt  }
0x5b: {  	_ =	shalt  }
0x5c: {  	_ =	shalt  }
0x5d: {  	_ =	shalt  }
0x5e: {  	_ =	shalt  }
0x5f: {  	_ =	shalt  }
0x60: {  	_ =	shalt  }
0x61: {  	_ =	shalt  }
0x62: {  	_ =	shalt  }
0x63: {  	_ =	shalt  }
0x64: {  	_ =	shalt  }
0x65: {  	_ =	shalt  }
0x66: {  	_ =	shalt  }
0x67: {  	_ =	shalt  }
0x68: {  	_ =	shalt  }
0x69: {  	_ =	shalt  }
0x6a: {  	_ =	shalt  }
0x6b: {  	_ =	shalt  }
0x6c: {  	_ =	shalt  }
0x6d: {  	_ =	shalt  }
0x6e: {  	_ =	shalt  }
0x6f: {  	_ =	shalt  }
0x70: {  	_ =	shalt  }
0x71: {  	_ =	shalt  }
0x72: {  	_ =	shalt  }
0x73: {  	_ =	shalt  }
0x74: {  	_ =	shalt  }
0x75: {  	_ =	shalt  }
0x76: {  	_ =	shalt  }
0x77: {  	_ =	shalt  }
0x78: {  	_ =	shalt  }
0x79: {  	_ =	shalt  }
0x7a: {  	_ =	shalt  }
0x7b: {  	_ =	shalt  }
0x7c: {  	_ =	shalt  }
0x7d: {  	_ =	shalt  }
0x7e: {  	_ =	shalt  }
0x7f: {  	_ =	shalt  }
0x80: {  	_ =	shalt  }
0x81: {  	_ =	shalt  }
0x82: {  	_ =	shalt  }
0x83: {  	_ =	shalt  }
0x84: {  	_ =	shalt  }
0x85: {  	_ =	shalt  }
0x86: {  	_ =	shalt  }
0x87: {  	_ =	shalt  }
.Lfunc_end0:
.L_simem_size_0:
called_computation_lowered:
.L_overlay_start_0:
0x88: {  	s2 =	sld [smem:$0x3FD9]  }
0x89: {  	s3 =	sld [smem:$0x3FFE];
	_ =	sdelay $0x1  }
0x8a: {  	s1 =	srdreg.scid  }
0x8b: {  	s0 =	sand.u32 $0x1, s1  }
0x8c: {  	s17 =	sshll.u32 s0, $0xA;
	s2 =	sadd.s32 s3, s2  }
0x8d: {  	s2 =	sadd.s32 s2, s17  }
0x8e: {  	[smem:$0x3FC6] =	sst s2  }
0x8f: {  	_ = 	snop  }
0x90: {  	s2 =	sld [smem:$0x3FD0];
	(tm) =	ssettm $0x1  }
0x91: {  	s18 =	sld [smem:$0x3FFB];
	_ =	sdelay $0x3  }
0x92: {  	_ =	strace s18  }
0x93: {  	s3 =	sld [smem:$0x3FFC];
	_ =	sdelay $0x3  }
0x94: {  	_ =	strace s3  }
0x95: {  	s3 =	sld [smem:$0x3FFD];
	_ =	sdelay $0x3  }
0x96: {  	_ =	strace s3  }
0x97: {  	_ =	strace $0x8FFFFFFF  }
0x98: {  	s19 =	sld [smem:$0x3FDB];
	_ =	sdelay $0x1  }
0x99: {  	s4 =	simm.s32 $_scs_section_size  }
0x9a: {  	s5 =	simm.s32 $_size__tile_overlayer_lowered;
	s6 =	simm.s32 $_tile_overlayer_lowered  }
0x9b: {  	s22 =	simm.s32 $0x1BFF;
	s21 =	sshll.u32 s6, $0x1;
	s3 =	sadd.s32 s4, s19  }
0x9c: {  	s7 =	simm.s32 $0x0;
	s20 =	sshll.u32 s5, $0x1;
	s5 =	sadd.s32 s21, s3  }
0x9d: {  	[timem:s7], [sflag:s22] =	dma.local [hbm:s5], s20  }
0x9e: {  	_ =	swait.ge [sflag:s22], s20  }
0x9f: {  	s4 =	ssub.s32 $0x0, s20;
	[sflag:s22] =	ssyncset.done $0x0  }
0xa0: {  	[sflag:s22] =	ssyncadd.s32 s4;
	_ =	sdelay $0x1  }
0xa1: {  	s23 =	simm.s32 $0x1B8B  }
0xa2: {  	_ =	swait.ge [sflag:s23], $0x1  }
0xa3: {  	[sflag:s23] =	ssyncset.done $0x0  }
0xa4: {  	s25 =	simm.s32 $0x1B8E;
	s24 =	sld [smem:$0x3FFE];
	[sflag:s23] =	ssyncadd.s32 $0xFFFFFFFF  }
0xa5: {  	s26 =	simm.s32 $execute0_lowered;
	[smem:$0x3FD2] =	sst s25  }
0xa6: {  	s5 =	sshll.u32 s26, $0x1;
	_ =	strace $0x80000046;
	[dreg:$0x1] =	wrdreg $0xFFFFFFFF  }
0xa7: {  	s28 =	simm.s32 $_size_execute0_lowered;
	s3 =	sadd.s32 s3, s5;
	[dreg:$0x0] =	wrdreg $0x0  }
0xa8: {  	s5 =	sshll.u32 s28, $0x1;
	[dreg:$0x2] =	wrdreg s3  }
0xa9: {  	[dreg:$0x3] =	wrdreg s5  }
0xaa: {  	[dreg:$0x4] =	wrdreg $0xC0  }
0xab: {  	_ =	task [dreg:s7], $0x5FFFF  }
0xac: {  	[dreg:$0x1] =	wrdreg $0xFFFFFFFF  }
0xad: {  	[dreg:$0x0] =	wrdreg $0x60  }
0xae: {  	[dreg:$0x2] =	wrdreg s24  }
0xaf: {  	[dreg:$0x3] =	wrdreg s2  }
0xb0: {  	[dreg:$0x4] =	wrdreg $0x9  }
0xb1: {  	_ =	task.clear_ibuf [dreg:s7], $0x5FFFF;
	_ =	strace $0x90000046  }
0xb2: {  	s29 =	simm.s32 $0x9;
	_ =	strace $0x80000048  }
0xb3: {  	_ =	swait.ge [sflag:s29], $0x1  }
0xb4: {  	[sflag:s29] =	ssyncadd.s32 $0xFFFFFFFF  }
0xb5: {  	_ =	strace $0x90000048  }
0xb6: {  	_ =	sfence  }
0xb7: {  	s30 =	sld [smem:$0x0];
	_ =	sdelay $0x2  }
0xb8: {  	s31 =	sshll.u32 s1, $0xD;
	s1 =	sshrl.u32 s1, $0x2  }
0xb9: {  	s3 =	sand.u32 $0x4000, s31;
	s1 =	sadd.s32 s1, s30  }
0xba: {  	s0 =	sor.u32 s3, s0;
	s1 =	sshll.u32 s1, $0x11  }
0xbb: {  	s0 =	sor.u32 s1, s0  }
0xbc: {  	s0 =	sadd.s32 $0x8F2B, s0  }
0xbd: {  	[sflag:s0] =	ssyncadd.remote.s32 $0x1  }
0xbe: {  	_ =	sfence.sel $0xFFFF  }
0xbf: {  	[dreg:$0x0] =	wrdreg $0xFFFFFFFF;
	(pc) =	sbr.abs _section_cstart, $3  }
0xc0: {  	[dreg:$0x1] =	wrdreg $0xFFFFFFFF  }
0xc1: {  	_ =	task.clear_ibuf [dreg:s7], $0x2FFFF;
	_ =	strace $0x9FFFFFFF  }
0xc2: {  	(tm) =	ssettm $0x7FFFFFFF  }
0xc3: {  	_ =	shalt  }
tec
execute0_lowered:
.L_overlay_start_1:
0x0: {  	(tag) =	ssettag $0x1  }
0x1: {  	s1 =	srdreg.scid;
	s0 =	stileid.u32  }
0x2: {  	s5 =	rddreg [dreg:$0x0];
	s6 =	sand.u32 $0x1, s1;
	s30 =	sshll.u32 s0, $0x1  }
0x3: {  	s8 =	rddreg [dreg:$0x1];
	s2 =	simm.s32 $0x0;
	s9 =	sor.u32 s6, s30  }
0x4: {  	[smem:$0x7FF] =	sst s2;
	s3 =	smul.u32 $0x48, s9  }
0x5: {  	s1 =	rddreg [dreg:$0x2];
	_ =	strace $0x80000047  }
0x6: {  	s10 =	ssub.s32 $0x2, s6;
	s4 =	sadd.s32 s5, s3;
	s3 =	simm.s32 $0x2  }
0x7: {  	[tilespmem:s2], [sflag:$0x2] =	stream.linear.gather [hbm4b:s4+s2], $0x240, $0x38;
	[tilespmem:$0x9240] =	vst v63  }
0x8: {  	s7 =	simm.s32 $0x1;
	s11 =	sshrl.u32 s10, $0x1;
	_ =	swait.ge [sflag:s3], $0x240  }
0x9: {  	s6 =	simm.s32 $0x240;
	s10 =	ssub.s32 s10, s11;
	[sflag:s3] =	ssyncset.done $0x0  }
0xa: {  	s5 =	sadd.s32 $0x90000, s5;
	s31 =	smax.u32 s10, $0x1;
	[sflag:s3] =	ssyncadd.s32 $0xFFFFFDC0  }
0xb: {  	[tilespmem:s6], [sflag:$0x1] =	stream.indirect.gather [hbm4b:s5+s6], $0x40, s2, s6, $0xb8;
	[tilespmem:$0x9240] =	vst v63  }
0xc: {  	s9 =	smul.u32 $0x1200, s9;
	p0 =	sne.s32 s31, $0x1;
	_ =	swait.ge [sflag:s7], $0x9000  }
.Ltmp0:
0xd: {  	[sflag:s7] =	ssyncset.done $0x0;
	(pc) =	sbr.rel @!p0 .LBB2_2-.Ltmp0, $4  }
0xe: {  	s8 =	sadd.s32 s8, s9;
	[sflag:s7] =	ssyncadd.s32 $0xFFFF7000  }
0xf: {  	[hbm4b:s8+s2] =	stream.linear.scatter [tilespmem:s6], [sflag:$0x2], $0x9000, $0x38;
	[tilespmem:$0x9240] =	vst v63  }
0x10: {  	_ =	swait.ge [sflag:s3], $0x9000  }
0x11: {  	s9 =	sadd.s32 $0xFFFFFFFF, s31;
	[sflag:s3] =	ssyncset.done $0x0  }
.LBB2_1:
0x12: {  	p0 =	sne.s32 s9, $0x1;
	s9 =	sadd.s32 $0xFFFFFFFF, s9;
	[sflag:s3] =	ssyncadd.s32 $0xFFFF7000  }
0x13: {  	[tilespmem:s2], [sflag:$0x2] =	stream.linear.gather [hbm4b:s4+s2], $0x240, $0x38;
	[tilespmem:$0x9240] =	vst v63  }
0x14: {  	_ =	swait.ge [sflag:s3], $0x240  }
0x15: {  	[sflag:s3] =	ssyncset.done $0x0  }
0x16: {  	[sflag:s3] =	ssyncadd.s32 $0xFFFFFDC0  }
0x17: {  	[tilespmem:s6], [sflag:$0x1] =	stream.indirect.gather [hbm4b:s5+s6], $0x40, s2, s6, $0xb8;
	[tilespmem:$0x9240] =	vst v63  }
0x18: {  	_ =	swait.ge [sflag:s7], $0x9000  }
.Ltmp1:
0x19: {  	[sflag:s7] =	ssyncset.done $0x0;
	(pc) =	sbr.rel @p0 .LBB2_1-.Ltmp1, $4  }
0x1a: {  	[sflag:s7] =	ssyncadd.s32 $0xFFFF7000  }
0x1b: {  	[hbm4b:s8+s2] =	stream.linear.scatter [tilespmem:s6], [sflag:$0x2], $0x9000, $0x38;
	[tilespmem:$0x9240] =	vst v63  }
0x1c: {  	_ =	swait.ge [sflag:s3], $0x9000  }
0x1d: {  	[sflag:s3] =	ssyncset.done $0x0  }
.LBB2_2:
0x1e: {  	[sflag:s3] =	ssyncadd.s32 $0xFFFF7000  }
0x1f: {  	_ =	sfence.sel $0x180000  }
0x20: {  	[bflag:$0x0] =	sbarrier.arrive $0xFFFF  }
0x21: {  	p0 =	sne.s32 s0, $0x0;
	_ =	strace $0x90000047  }
0x22: {  	s0 =	sadd.s32 @!p0 $0x100000, s1;
	[bflag:$0x2] =	sbarrier.arrive $0xFFFF  }
0x23: {  	[sflag:s0] =	ssyncadd.tile.s32 @!p0 $0x1;
	_ =	shalt  }
.Lfunc_end2:
_tile_overlayer_lowered:
.L_overlay_start_2:
0x24: {  	(tag) =	ssettag $0x2  }
0x25: {  	s0 =	rddreg [dreg:$0x0];
	s2 =	stileid.u32  }
0x26: {  	s1 =	rddreg [dreg:$0x1];
	p0 =	sne.s32 s2, $0x0  }
0x27: {  	s3 =	rddreg [dreg:$0x2];
	[bflag:$0x3] =	sbarrier.arrive $0xFFFF;
	s2 =	simm.s32 @!p0 $0x1C02  }
0x28: {  	[timem:s3], [sflag:s2] =	dma.local @!p0 [hbm:s0], s1  }
0x29: {  	s0 =	simm.s32 @!p0 $0x2  }
0x2a: {  	_ =	swait.ge @!p0 [sflag:s0], s1  }
0x2b: {  	s1 =	ssub.s32 @!p0 $0x0, s1;
	[sflag:s0] =	ssyncset.done @!p0 $0x0  }
0x2c: {  	[sflag:s0] =	ssyncadd.s32 @!p0 s1  }
0x2d: {  	[bflag:$0x3] =	sbarrier.arrive $0xFFFF  }
0x2e: {  	_ =	shalt  }

</sc_bundles>
